<compile_context>
chip_gen: v7x
topology: tpu7x:2x2x1
jax: 0.10.2.dev20260603
libtpu: 0.0.44.dev20260713+nightly
codegen_flags: <defaults>
</compile_context>

<pallas_src>
import functools

import jax
import jax.numpy as jnp
from jax import lax
from jax.experimental import pallas as pl
from jax.experimental.pallas import tpu as pltpu
from jax.experimental.pallas import tpu_sc as plsc

NC = 2
NS = 16
L = 16


def _sc_partials(cidx, tidx, oidx2, emb_v, emb_u, B, NEG, D):
    NW = NC * NS
    BPW = B // NW
    H = NEG // 2
    NCH = -(-NEG // L)

    mesh = plsc.VectorSubcoreMesh(core_axis_name="c", subcore_axis_name="s")

    @functools.partial(
        pl.kernel,
        out_type=[
            jax.ShapeDtypeStruct((B * L,), jnp.float32),
            jax.ShapeDtypeStruct((B * L,), jnp.float32),
        ],
        mesh=mesh,
        compiler_params=pltpu.CompilerParams(
            use_tc_tiling_on_sc=False, needs_layout_passes=False),
        scratch_types=[
            pltpu.VMEM((BPW,), jnp.int32),
            pltpu.VMEM((BPW,), jnp.int32),
            pltpu.VMEM((2 * BPW, H), jnp.int32),
            pltpu.VMEM((BPW, D), jnp.float32),
            pltpu.VMEM((BPW, D), jnp.float32),
            pltpu.VMEM((NEG, D), jnp.float32),
            pltpu.VMEM((NEG, D), jnp.float32),
            pltpu.VMEM((BPW * L,), jnp.float32),
            pltpu.VMEM((BPW * L,), jnp.float32),
            pltpu.SemaphoreType.DMA,
            pltpu.SemaphoreType.DMA,
            pltpu.SemaphoreType.DMA,
        ],
    )
    def sc_kernel(cidx_hbm, tidx_hbm, oidx_hbm, v_hbm, u_hbm,
                  sp_hbm, ae_hbm,
                  cidx_v, tidx_v, oidx_v, crows, trows, rows0, rows1,
                  sp_v, ae_v, sem0, semA, semB):
        wid = lax.axis_index("s") * NC + lax.axis_index("c")
        b0 = wid * BPW

        pltpu.sync_copy(cidx_hbm.at[pl.ds(b0, BPW)], cidx_v)
        pltpu.sync_copy(tidx_hbm.at[pl.ds(b0, BPW)], tidx_v)
        pltpu.sync_copy(oidx_hbm.at[pl.ds(2 * b0, 2 * BPW)], oidx_v)

        c1 = pltpu.async_copy(v_hbm.at[cidx_v], crows, sem0)
        c2 = pltpu.async_copy(u_hbm.at[tidx_v], trows, sem0)

        iota = lax.iota(jnp.int32, L)
        row_ids = [jnp.minimum(c * L + iota, NEG - 1) for c in range(NCH)]
        valids = [(c * L + iota) < NEG for c in range(NCH)]
        bufs = ((rows0, semA), (rows1, semB))

        def issue(b, rows, sem):
            pltpu.async_copy(u_hbm.at[oidx_v.at[2 * b]],
                             rows.at[pl.ds(0, H)], sem)
            pltpu.async_copy(u_hbm.at[oidx_v.at[2 * b + 1]],
                             rows.at[pl.ds(H, H)], sem)

        def drain(b, rows, sem):
            pltpu.make_async_copy(u_hbm.at[oidx_v.at[2 * b]],
                                  rows.at[pl.ds(0, H)], sem).wait()
            pltpu.make_async_copy(u_hbm.at[oidx_v.at[2 * b + 1]],
                                  rows.at[pl.ds(H, H)], sem).wait()

        c1.wait()
        c2.wait()
        issue(0, rows0, semA)
        issue(1, rows1, semB)

        def compute(b, rows):
            spv = crows[b, pl.ds(0, L)] * trows[b, pl.ds(0, L)]
            for k in range(1, D // L):
                spv = spv + crows[b, pl.ds(k * L, L)] * trows[b, pl.ds(k * L, L)]
            sp_v[pl.ds(b * L, L)] = spv

            def dstep(d, accs):
                dfull = jnp.full((L,), d, jnp.int32)
                cval = plsc.load_gather(crows, [jnp.full((L,), b, jnp.int32), dfull])
                return tuple(
                    accs[c] + plsc.load_gather(rows, [row_ids[c], dfull]) * cval
                    for c in range(NCH))

            accs = tuple(jnp.zeros((L,), jnp.float32) for _ in range(NCH))
            accs = lax.fori_loop(0, D, dstep, accs)

            aev = jnp.zeros((L,), jnp.float32)
            for c in range(NCH):
                aev = aev + jnp.where(valids[c], jnp.exp(accs[c]), 0.0)
            ae_v[pl.ds(b * L, L)] = aev

        def body(i, carry):
            for p in range(2):
                rows, sem = bufs[p]
                b = 2 * i + p
                drain(b, rows, sem)
                compute(b, rows)

                @pl.when(b + 2 < BPW)
                def _():
                    issue(b + 2, rows, sem)
            return carry

        lax.fori_loop(0, BPW // 2, body, 0)

        pltpu.sync_copy(sp_v, sp_hbm.at[pl.ds(b0 * L, BPW * L)])
        pltpu.sync_copy(ae_v, ae_hbm.at[pl.ds(b0 * L, BPW * L)])

    return sc_kernel(cidx, tidx, oidx2, emb_v, emb_u)


def _tc_reduce(sp, ae, B):
    def body(sp_ref, ae_ref, o_ref):
        scores_total = jnp.sum(sp_ref[...])
        lse_total = jnp.sum(jnp.log(jnp.sum(ae_ref[...], axis=1)))
        o_ref[...] = jnp.reshape(-(scores_total - lse_total) / B, (1, 1))

    return pl.pallas_call(
        body,
        out_shape=jax.ShapeDtypeStruct((1, 1), jnp.float32),
    )(sp, ae)


def kernel(center_words, target_words, outer_words, embedding_v, embedding_u):
    B = center_words.shape[0]
    NEG = outer_words.shape[1]
    D = embedding_v.shape[1]

    cidx = center_words.reshape(B).astype(jnp.int32)
    tidx = target_words.reshape(B).astype(jnp.int32)
    oidx2 = outer_words.astype(jnp.int32).reshape(2 * B, NEG // 2)

    sp, ae = _sc_partials(cidx, tidx, oidx2, embedding_v, embedding_u,
                          B, NEG, D)
    nll = _tc_reduce(sp.reshape(B, L), ae.reshape(B, L), B)
    return nll[0, 0]

# --- scband reference (transcript-rebuilt; emitter-appended) ---
"""Pipeline reference for scband-skipgram-15015205667005 (READ-ONLY COPY).

The authoritative reference and input builder live on the scoring server;
editing this copy changes nothing except your own understanding.
"""

import jax, jax.numpy as jnp
import numpy as np

VOCAB = 1000000
DIM = 64
B = 4096
NEG = 200

def setup_inputs(seed: int = 0) -> dict:
    key = jax.random.key(seed)
    k1, k2, k3, k4, k5 = jax.random.split(key, 5)
    center_words = jax.random.randint(k1, (B, 1), 0, VOCAB, dtype=jnp.int64) if jax.config.jax_enable_x64 else jax.random.randint(k1, (B, 1), 0, VOCAB).astype(jnp.int32)
    target_words = jax.random.randint(k2, (B, 1), 0, VOCAB).astype(center_words.dtype)
    outer_words = jax.random.randint(k3, (B, NEG), 0, VOCAB).astype(center_words.dtype)
    # learned parameters: embedding_v ~ U(-1,1); embedding_u small random (torch init is zeros,
    # but zeros would make the forward degenerate for testing purposes)
    embedding_v = jax.random.uniform(k4, (VOCAB, DIM), dtype=jnp.float32, minval=-1.0, maxval=1.0)
    embedding_u = jax.random.normal(k5, (VOCAB, DIM), dtype=jnp.float32) * 0.01
    return {
        'center_words': center_words,
        'target_words': target_words,
        'outer_words': outer_words,
        'embedding_v': embedding_v,
        'embedding_u': embedding_u,
    }

def reference(center_words, target_words, outer_words, embedding_v, embedding_u):
    # gathers (embedding lookups)
    center_embeds = jnp.take(embedding_v, center_words, axis=0)   # [B, 1, D]
    target_embeds = jnp.take(embedding_u, target_words, axis=0)   # [B, 1, D]
    outer_embeds = jnp.take(embedding_u, outer_words, axis=0)     # [B, NEG, D]
    # scores = target_embeds.bmm(center_embeds.transpose(1,2)).squeeze(2) -> [B, 1]
    scores = jnp.matmul(target_embeds, jnp.swapaxes(center_embeds, 1, 2)).squeeze(2)
    # norm_scores = outer_embeds.bmm(center_embeds.transpose(1,2)).squeeze(2) -> [B, NEG]
    norm_scores = jnp.matmul(outer_embeds, jnp.swapaxes(center_embeds, 1, 2)).squeeze(2)
    nll = -jnp.mean(jnp.log(jnp.exp(scores) / jnp.sum(jnp.exp(norm_scores), axis=1, keepdims=True)))
    return nll

if __name__ == "__main__":
    import jax
    _d = setup_inputs()
    print(jax.jit(kernel)(*tuple(_d.values())))

</pallas_src>

<mosaic_0001>
#map = affine_map<(d0, d1) -> (0)>
#map1 = affine_map<(d0, d1) -> (0, 0)>
module attributes {stable_mosaic.version = 14 : i64} {
  func.func @sc_kernel(%arg0: i32, %arg1: i32, %arg2: memref<4096xi32, #tpu.memory_space<hbm>>, %arg3: memref<4096xi32, #tpu.memory_space<hbm>>, %arg4: memref<8192x100xi32, #tpu.memory_space<hbm>>, %arg5: memref<1000000x64xf32, #tpu.memory_space<hbm>>, %arg6: memref<1000000x64xf32, #tpu.memory_space<hbm>>, %arg7: memref<65536xf32, #tpu.memory_space<hbm>>, %arg8: memref<65536xf32, #tpu.memory_space<hbm>>, %arg9: memref<128xi32, #tpu.memory_space<vmem>>, %arg10: memref<128xi32, #tpu.memory_space<vmem>>, %arg11: memref<256x100xi32, #tpu.memory_space<vmem>>, %arg12: memref<128x64xf32, #tpu.memory_space<vmem>>, %arg13: memref<128x64xf32, #tpu.memory_space<vmem>>, %arg14: memref<200x64xf32, #tpu.memory_space<vmem>>, %arg15: memref<200x64xf32, #tpu.memory_space<vmem>>, %arg16: memref<2048xf32, #tpu.memory_space<vmem>>, %arg17: memref<2048xf32, #tpu.memory_space<vmem>>, %arg18: memref<!tpu.dma_semaphore, #tpu.memory_space<semaphore_mem>>, %arg19: memref<!tpu.dma_semaphore, #tpu.memory_space<semaphore_mem>>, %arg20: memref<!tpu.dma_semaphore, #tpu.memory_space<semaphore_mem>>) attributes {dimension_semantics = [#tpu.dimension_semantics<core_parallel>, #tpu.dimension_semantics<subcore_parallel>], iteration_bounds = array<i64: 2, 16>, scalar_prefetch = 0 : i64, scratch_operands = 12 : i64, tpu.core_type = #tpu.core_type<sc_vector_subcore>, window_params = [{transform_indices = #map}, {transform_indices = #map}, {transform_indices = #map1}, {transform_indices = #map1}, {transform_indices = #map1}, {transform_indices = #map}, {transform_indices = #map}]} {
    %mul3A = arith.constant 2 : i32
    %mul3A_0 = arith.muli %arg1, %mul3A : i32
    %add3A = arith.addi %mul3A_0, %arg0 : i32
    %mul3A_1 = arith.constant 128 : i32
    %mul3A_2 = arith.muli %add3A, %mul3A_1 : i32
    "tpu.region"() ({
      %run_scoped3A = tpu.sem_alloc : memref<!tpu.dma_semaphore, #tpu.memory_space<semaphore_mem>>
      %dma_start3A_218 = tpu.memref_slice %arg2[%mul3A_2] : memref<4096xi32, #tpu.memory_space<hbm>> -> memref<128xi32, #tpu.memory_space<hbm>>
      %dma_start3A_219 = tpu.memref_slice %arg2[%mul3A_2] : memref<4096xi32, #tpu.memory_space<hbm>> -> memref<128xi32, #tpu.memory_space<hbm>>
      tpu.enqueue_dma source(%dma_start3A_219 : memref<128xi32, #tpu.memory_space<hbm>>) target(%arg9 : memref<128xi32, #tpu.memory_space<vmem>>) target_semaphore(%run_scoped3A : memref<!tpu.dma_semaphore, #tpu.memory_space<semaphore_mem>>)
      %dma_wait3A_220 = tpu.memref_slice %arg2[%mul3A_2] : memref<4096xi32, #tpu.memory_space<hbm>> -> memref<128xi32, #tpu.memory_space<hbm>>
      %dma_wait3A_221 = tpu.memref_slice %arg2[%mul3A_2] : memref<4096xi32, #tpu.memory_space<hbm>> -> memref<128xi32, #tpu.memory_space<hbm>>
      tpu.wait_dma2 semaphore(%run_scoped3A : memref<!tpu.dma_semaphore, #tpu.memory_space<semaphore_mem>>) src(%dma_wait3A_221 : memref<128xi32, #tpu.memory_space<hbm>>) dst(%arg9 : memref<128xi32, #tpu.memory_space<vmem>>)
      tpu.yield
    }) : () -> ()
    "tpu.region"() ({
      %run_scoped3A = tpu.sem_alloc : memref<!tpu.dma_semaphore, #tpu.memory_space<semaphore_mem>>
      %dma_start3A_218 = tpu.memref_slice %arg3[%mul3A_2] : memref<4096xi32, #tpu.memory_space<hbm>> -> memref<128xi32, #tpu.memory_space<hbm>>
      %dma_start3A_219 = tpu.memref_slice %arg3[%mul3A_2] : memref<4096xi32, #tpu.memory_space<hbm>> -> memref<128xi32, #tpu.memory_space<hbm>>
      tpu.enqueue_dma source(%dma_start3A_219 : memref<128xi32, #tpu.memory_space<hbm>>) target(%arg10 : memref<128xi32, #tpu.memory_space<vmem>>) target_semaphore(%run_scoped3A : memref<!tpu.dma_semaphore, #tpu.memory_space<semaphore_mem>>)
      %dma_wait3A_220 = tpu.memref_slice %arg3[%mul3A_2] : memref<4096xi32, #tpu.memory_space<hbm>> -> memref<128xi32, #tpu.memory_space<hbm>>
      %dma_wait3A_221 = tpu.memref_slice %arg3[%mul3A_2] : memref<4096xi32, #tpu.memory_space<hbm>> -> memref<128xi32, #tpu.memory_space<hbm>>
      tpu.wait_dma2 semaphore(%run_scoped3A : memref<!tpu.dma_semaphore, #tpu.memory_space<semaphore_mem>>) src(%dma_wait3A_221 : memref<128xi32, #tpu.memory_space<hbm>>) dst(%arg10 : memref<128xi32, #tpu.memory_space<vmem>>)
      tpu.yield
    }) : () -> ()
    %mul3A_3 = arith.constant 2 : i32
    %mul3A_4 = arith.muli %mul3A_3, %mul3A_2 : i32
    "tpu.region"() ({
      %run_scoped3A = tpu.sem_alloc : memref<!tpu.dma_semaphore, #tpu.memory_space<semaphore_mem>>
      %dma_start3A_218 = arith.constant 0 : i32
      %dma_start3A_219 = tpu.memref_slice %arg4[%mul3A_4, %dma_start3A_218] : memref<8192x100xi32, #tpu.memory_space<hbm>> -> memref<256x100xi32, #tpu.memory_space<hbm>>
      %dma_start3A_220 = arith.constant 0 : i32
      %dma_start3A_221 = tpu.memref_slice %arg4[%mul3A_4, %dma_start3A_220] : memref<8192x100xi32, #tpu.memory_space<hbm>> -> memref<256x100xi32, #tpu.memory_space<hbm>>
      tpu.enqueue_dma source(%dma_start3A_221 : memref<256x100xi32, #tpu.memory_space<hbm>>) target(%arg11 : memref<256x100xi32, #tpu.memory_space<vmem>>) target_semaphore(%run_scoped3A : memref<!tpu.dma_semaphore, #tpu.memory_space<semaphore_mem>>)
      %dma_wait3A_222 = arith.constant 0 : i32
      %dma_wait3A_223 = tpu.memref_slice %arg4[%mul3A_4, %dma_wait3A_222] : memref<8192x100xi32, #tpu.memory_space<hbm>> -> memref<256x100xi32, #tpu.memory_space<hbm>>
      %dma_wait3A_224 = arith.constant 0 : i32
      %dma_wait3A_225 = tpu.memref_slice %arg4[%mul3A_4, %dma_wait3A_224] : memref<8192x100xi32, #tpu.memory_space<hbm>> -> memref<256x100xi32, #tpu.memory_space<hbm>>
      tpu.wait_dma2 semaphore(%run_scoped3A : memref<!tpu.dma_semaphore, #tpu.memory_space<semaphore_mem>>) src(%dma_wait3A_225 : memref<256x100xi32, #tpu.memory_space<hbm>>) dst(%arg11 : memref<256x100xi32, #tpu.memory_space<vmem>>)
      tpu.yield
    }) : () -> ()
    %dma_start3A = arith.constant 0 : i32
    %dma_start3A_5 = arith.constant 0 : i32
    %dma_start3A_6 = tpu.memref_slice %arg5[%dma_start3A, %dma_start3A_5] : memref<1000000x64xf32, #tpu.memory_space<hbm>> -> memref<1000000x64xf32, #tpu.memory_space<hbm>>
    tpu.enqueue_indirect_dma source(%dma_start3A_6 : memref<1000000x64xf32, #tpu.memory_space<hbm>>) target(%arg12 : memref<128x64xf32, #tpu.memory_space<vmem>>) offsets(%arg9 : memref<128xi32, #tpu.memory_space<vmem>>) semaphore(%arg18 : memref<!tpu.dma_semaphore, #tpu.memory_space<semaphore_mem>>)
    %dma_start3A_7 = arith.constant 0 : i32
    %dma_start3A_8 = arith.constant 0 : i32
    %dma_start3A_9 = tpu.memref_slice %arg6[%dma_start3A_7, %dma_start3A_8] : memref<1000000x64xf32, #tpu.memory_space<hbm>> -> memref<1000000x64xf32, #tpu.memory_space<hbm>>
    tpu.enqueue_indirect_dma source(%dma_start3A_9 : memref<1000000x64xf32, #tpu.memory_space<hbm>>) target(%arg13 : memref<128x64xf32, #tpu.memory_space<vmem>>) offsets(%arg10 : memref<128xi32, #tpu.memory_space<vmem>>) semaphore(%arg18 : memref<!tpu.dma_semaphore, #tpu.memory_space<semaphore_mem>>)
    %iota3A = tpu.iota {dimensions = array<i32: 0>} : vector<16xi32>
    %add3A_10 = arith.constant 0 : i32
    %add3A_11 = vector.broadcast %add3A_10 : i32 to vector<16xi32>
    %add3A_12 = arith.addi %add3A_11, %iota3A : vector<16xi32>
    %min3A = arith.constant 199 : i32
    %min3A_13 = vector.broadcast %min3A : i32 to vector<16xi32>
    %min3A_14 = arith.minsi %add3A_12, %min3A_13 : vector<16xi32>
    %add3A_15 = arith.constant 16 : i32
    %add3A_16 = vector.broadcast %add3A_15 : i32 to vector<16xi32>
    %add3A_17 = arith.addi %add3A_16, %iota3A : vector<16xi32>
    %min3A_18 = arith.constant 199 : i32
    %min3A_19 = vector.broadcast %min3A_18 : i32 to vector<16xi32>
    %min3A_20 = arith.minsi %add3A_17, %min3A_19 : vector<16xi32>
    %add3A_21 = arith.constant 32 : i32
    %add3A_22 = vector.broadcast %add3A_21 : i32 to vector<16xi32>
    %add3A_23 = arith.addi %add3A_22, %iota3A : vector<16xi32>
    %min3A_24 = arith.constant 199 : i32
    %min3A_25 = vector.broadcast %min3A_24 : i32 to vector<16xi32>
    %min3A_26 = arith.minsi %add3A_23, %min3A_25 : vector<16xi32>
    %add3A_27 = arith.constant 48 : i32
    %add3A_28 = vector.broadcast %add3A_27 : i32 to vector<16xi32>
    %add3A_29 = arith.addi %add3A_28, %iota3A : vector<16xi32>
    %min3A_30 = arith.constant 199 : i32
    %min3A_31 = vector.broadcast %min3A_30 : i32 to vector<16xi32>
    %min3A_32 = arith.minsi %add3A_29, %min3A_31 : vector<16xi32>
    %add3A_33 = arith.constant 64 : i32
    %add3A_34 = vector.broadcast %add3A_33 : i32 to vector<16xi32>
    %add3A_35 = arith.addi %add3A_34, %iota3A : vector<16xi32>
    %min3A_36 = arith.constant 199 : i32
    %min3A_37 = vector.broadcast %min3A_36 : i32 to vector<16xi32>
    %min3A_38 = arith.minsi %add3A_35, %min3A_37 : vector<16xi32>
    %add3A_39 = arith.constant 80 : i32
    %add3A_40 = vector.broadcast %add3A_39 : i32 to vector<16xi32>
    %add3A_41 = arith.addi %add3A_40, %iota3A : vector<16xi32>
    %min3A_42 = arith.constant 199 : i32
    %min3A_43 = vector.broadcast %min3A_42 : i32 to vector<16xi32>
    %min3A_44 = arith.minsi %add3A_41, %min3A_43 : vector<16xi32>
    %add3A_45 = arith.constant 96 : i32
    %add3A_46 = vector.broadcast %add3A_45 : i32 to vector<16xi32>
    %add3A_47 = arith.addi %add3A_46, %iota3A : vector<16xi32>
    %min3A_48 = arith.constant 199 : i32
    %min3A_49 = vector.broadcast %min3A_48 : i32 to vector<16xi32>
    %min3A_50 = arith.minsi %add3A_47, %min3A_49 : vector<16xi32>
    %add3A_51 = arith.constant 112 : i32
    %add3A_52 = vector.broadcast %add3A_51 : i32 to vector<16xi32>
    %add3A_53 = arith.addi %add3A_52, %iota3A : vector<16xi32>
    %min3A_54 = arith.constant 199 : i32
    %min3A_55 = vector.broadcast %min3A_54 : i32 to vector<16xi32>
    %min3A_56 = arith.minsi %add3A_53, %min3A_55 : vector<16xi32>
    %add3A_57 = arith.constant 128 : i32
    %add3A_58 = vector.broadcast %add3A_57 : i32 to vector<16xi32>
    %add3A_59 = arith.addi %add3A_58, %iota3A : vector<16xi32>
    %min3A_60 = arith.constant 199 : i32
    %min3A_61 = vector.broadcast %min3A_60 : i32 to vector<16xi32>
    %min3A_62 = arith.minsi %add3A_59, %min3A_61 : vector<16xi32>
    %add3A_63 = arith.constant 144 : i32
    %add3A_64 = vector.broadcast %add3A_63 : i32 to vector<16xi32>
    %add3A_65 = arith.addi %add3A_64, %iota3A : vector<16xi32>
    %min3A_66 = arith.constant 199 : i32
    %min3A_67 = vector.broadcast %min3A_66 : i32 to vector<16xi32>
    %min3A_68 = arith.minsi %add3A_65, %min3A_67 : vector<16xi32>
    %add3A_69 = arith.constant 160 : i32
    %add3A_70 = vector.broadcast %add3A_69 : i32 to vector<16xi32>
    %add3A_71 = arith.addi %add3A_70, %iota3A : vector<16xi32>
    %min3A_72 = arith.constant 199 : i32
    %min3A_73 = vector.broadcast %min3A_72 : i32 to vector<16xi32>
    %min3A_74 = arith.minsi %add3A_71, %min3A_73 : vector<16xi32>
    %add3A_75 = arith.constant 176 : i32
    %add3A_76 = vector.broadcast %add3A_75 : i32 to vector<16xi32>
    %add3A_77 = arith.addi %add3A_76, %iota3A : vector<16xi32>
    %min3A_78 = arith.constant 199 : i32
    %min3A_79 = vector.broadcast %min3A_78 : i32 to vector<16xi32>
    %min3A_80 = arith.minsi %add3A_77, %min3A_79 : vector<16xi32>
    %add3A_81 = arith.constant 192 : i32
    %add3A_82 = vector.broadcast %add3A_81 : i32 to vector<16xi32>
    %add3A_83 = arith.addi %add3A_82, %iota3A : vector<16xi32>
    %min3A_84 = arith.constant 199 : i32
    %min3A_85 = vector.broadcast %min3A_84 : i32 to vector<16xi32>
    %min3A_86 = arith.minsi %add3A_83, %min3A_85 : vector<16xi32>
    %add3A_87 = arith.constant 0 : i32
    %add3A_88 = vector.broadcast %add3A_87 : i32 to vector<16xi32>
    %add3A_89 = arith.addi %add3A_88, %iota3A : vector<16xi32>
    %lt3A = arith.constant 200 : i32
    %lt3A_90 = vector.broadcast %lt3A : i32 to vector<16xi32>
    %lt3A_91 = arith.cmpi slt, %add3A_89, %lt3A_90 : vector<16xi32>
    %add3A_92 = arith.constant 16 : i32
    %add3A_93 = vector.broadcast %add3A_92 : i32 to vector<16xi32>
    %add3A_94 = arith.addi %add3A_93, %iota3A : vector<16xi32>
    %lt3A_95 = arith.constant 200 : i32
    %lt3A_96 = vector.broadcast %lt3A_95 : i32 to vector<16xi32>
    %lt3A_97 = arith.cmpi slt, %add3A_94, %lt3A_96 : vector<16xi32>
    %add3A_98 = arith.constant 32 : i32
    %add3A_99 = vector.broadcast %add3A_98 : i32 to vector<16xi32>
    %add3A_100 = arith.addi %add3A_99, %iota3A : vector<16xi32>
    %lt3A_101 = arith.constant 200 : i32
    %lt3A_102 = vector.broadcast %lt3A_101 : i32 to vector<16xi32>
    %lt3A_103 = arith.cmpi slt, %add3A_100, %lt3A_102 : vector<16xi32>
    %add3A_104 = arith.constant 48 : i32
    %add3A_105 = vector.broadcast %add3A_104 : i32 to vector<16xi32>
    %add3A_106 = arith.addi %add3A_105, %iota3A : vector<16xi32>
    %lt3A_107 = arith.constant 200 : i32
    %lt3A_108 = vector.broadcast %lt3A_107 : i32 to vector<16xi32>
    %lt3A_109 = arith.cmpi slt, %add3A_106, %lt3A_108 : vector<16xi32>
    %add3A_110 = arith.constant 64 : i32
    %add3A_111 = vector.broadcast %add3A_110 : i32 to vector<16xi32>
    %add3A_112 = arith.addi %add3A_111, %iota3A : vector<16xi32>
    %lt3A_113 = arith.constant 200 : i32
    %lt3A_114 = vector.broadcast %lt3A_113 : i32 to vector<16xi32>
    %lt3A_115 = arith.cmpi slt, %add3A_112, %lt3A_114 : vector<16xi32>
    %add3A_116 = arith.constant 80 : i32
    %add3A_117 = vector.broadcast %add3A_116 : i32 to vector<16xi32>
    %add3A_118 = arith.addi %add3A_117, %iota3A : vector<16xi32>
    %lt3A_119 = arith.constant 200 : i32
    %lt3A_120 = vector.broadcast %lt3A_119 : i32 to vector<16xi32>
    %lt3A_121 = arith.cmpi slt, %add3A_118, %lt3A_120 : vector<16xi32>
    %add3A_122 = arith.constant 96 : i32
    %add3A_123 = vector.broadcast %add3A_122 : i32 to vector<16xi32>
    %add3A_124 = arith.addi %add3A_123, %iota3A : vector<16xi32>
    %lt3A_125 = arith.constant 200 : i32
    %lt3A_126 = vector.broadcast %lt3A_125 : i32 to vector<16xi32>
    %lt3A_127 = arith.cmpi slt, %add3A_124, %lt3A_126 : vector<16xi32>
    %add3A_128 = arith.constant 112 : i32
    %add3A_129 = vector.broadcast %add3A_128 : i32 to vector<16xi32>
    %add3A_130 = arith.addi %add3A_129, %iota3A : vector<16xi32>
    %lt3A_131 = arith.constant 200 : i32
    %lt3A_132 = vector.broadcast %lt3A_131 : i32 to vector<16xi32>
    %lt3A_133 = arith.cmpi slt, %add3A_130, %lt3A_132 : vector<16xi32>
    %add3A_134 = arith.constant 128 : i32
    %add3A_135 = vector.broadcast %add3A_134 : i32 to vector<16xi32>
    %add3A_136 = arith.addi %add3A_135, %iota3A : vector<16xi32>
    %lt3A_137 = arith.constant 200 : i32
    %lt3A_138 = vector.broadcast %lt3A_137 : i32 to vector<16xi32>
    %lt3A_139 = arith.cmpi slt, %add3A_136, %lt3A_138 : vector<16xi32>
    %add3A_140 = arith.constant 144 : i32
    %add3A_141 = vector.broadcast %add3A_140 : i32 to vector<16xi32>
    %add3A_142 = arith.addi %add3A_141, %iota3A : vector<16xi32>
    %lt3A_143 = arith.constant 200 : i32
    %lt3A_144 = vector.broadcast %lt3A_143 : i32 to vector<16xi32>
    %lt3A_145 = arith.cmpi slt, %add3A_142, %lt3A_144 : vector<16xi32>
    %add3A_146 = arith.constant 160 : i32
    %add3A_147 = vector.broadcast %add3A_146 : i32 to vector<16xi32>
    %add3A_148 = arith.addi %add3A_147, %iota3A : vector<16xi32>
    %lt3A_149 = arith.constant 200 : i32
    %lt3A_150 = vector.broadcast %lt3A_149 : i32 to vector<16xi32>
    %lt3A_151 = arith.cmpi slt, %add3A_148, %lt3A_150 : vector<16xi32>
    %add3A_152 = arith.constant 176 : i32
    %add3A_153 = vector.broadcast %add3A_152 : i32 to vector<16xi32>
    %add3A_154 = arith.addi %add3A_153, %iota3A : vector<16xi32>
    %lt3A_155 = arith.constant 200 : i32
    %lt3A_156 = vector.broadcast %lt3A_155 : i32 to vector<16xi32>
    %lt3A_157 = arith.cmpi slt, %add3A_154, %lt3A_156 : vector<16xi32>
    %add3A_158 = arith.constant 192 : i32
    %add3A_159 = vector.broadcast %add3A_158 : i32 to vector<16xi32>
    %add3A_160 = arith.addi %add3A_159, %iota3A : vector<16xi32>
    %lt3A_161 = arith.constant 200 : i32
    %lt3A_162 = vector.broadcast %lt3A_161 : i32 to vector<16xi32>
    %lt3A_163 = arith.cmpi slt, %add3A_160, %lt3A_162 : vector<16xi32>
    %dma_wait3A = arith.constant 0 : i32
    %dma_wait3A_164 = arith.constant 0 : i32
    %dma_wait3A_165 = tpu.memref_slice %arg5[%dma_wait3A, %dma_wait3A_164] : memref<1000000x64xf32, #tpu.memory_space<hbm>> -> memref<1000000x64xf32, #tpu.memory_space<hbm>>
    tpu.wait_indirect_dma semaphore(%arg18 : memref<!tpu.dma_semaphore, #tpu.memory_space<semaphore_mem>>) src(%dma_wait3A_165 : memref<1000000x64xf32, #tpu.memory_space<hbm>>) dst(%arg12 : memref<128x64xf32, #tpu.memory_space<vmem>>)
    %dma_wait3A_166 = arith.constant 0 : i32
    %dma_wait3A_167 = arith.constant 0 : i32
    %dma_wait3A_168 = tpu.memref_slice %arg6[%dma_wait3A_166, %dma_wait3A_167] : memref<1000000x64xf32, #tpu.memory_space<hbm>> -> memref<1000000x64xf32, #tpu.memory_space<hbm>>
    tpu.wait_indirect_dma semaphore(%arg18 : memref<!tpu.dma_semaphore, #tpu.memory_space<semaphore_mem>>) src(%dma_wait3A_168 : memref<1000000x64xf32, #tpu.memory_space<hbm>>) dst(%arg13 : memref<128x64xf32, #tpu.memory_space<vmem>>)
    %dma_start3A_169 = arith.constant 0 : i32
    %dma_start3A_170 = arith.constant 0 : i32
    %dma_start3A_171 = arith.constant 0 : i32
    %dma_start3A_172 = tpu.memref_slice %arg14[%dma_start3A_170, %dma_start3A_171] : memref<200x64xf32, #tpu.memory_space<vmem>> -> memref<100x64xf32, #tpu.memory_space<vmem>>
    %dma_start3A_173 = arith.constant 0 : i32
    %dma_start3A_174 = tpu.memref_slice %arg11[%dma_start3A_169, %dma_start3A_173] : memref<256x100xi32, #tpu.memory_space<vmem>> -> memref<1x100xi32, #tpu.memory_space<vmem>>
    %dma_start3A_175 = tpu.memref_squeeze %dma_start3A_174 : memref<1x100xi32, #tpu.memory_space<vmem>> -> memref<100xi32, #tpu.memory_space<vmem>>
    %dma_start3A_176 = arith.constant 0 : i32
    %dma_start3A_177 = arith.constant 0 : i32
    %dma_start3A_178 = tpu.memref_slice %arg6[%dma_start3A_176, %dma_start3A_177] : memref<1000000x64xf32, #tpu.memory_space<hbm>> -> memref<1000000x64xf32, #tpu.memory_space<hbm>>
    tpu.enqueue_indirect_dma source(%dma_start3A_178 : memref<1000000x64xf32, #tpu.memory_space<hbm>>) target(%dma_start3A_172 : memref<100x64xf32, #tpu.memory_space<vmem>>) offsets(%dma_start3A_175 : memref<100xi32, #tpu.memory_space<vmem>>) semaphore(%arg19 : memref<!tpu.dma_semaphore, #tpu.memory_space<semaphore_mem>>)
    %dma_start3A_179 = arith.constant 1 : i32
    %dma_start3A_180 = arith.constant 100 : i32
    %dma_start3A_181 = arith.constant 0 : i32
    %dma_start3A_182 = tpu.memref_slice %arg14[%dma_start3A_180, %dma_start3A_181] : memref<200x64xf32, #tpu.memory_space<vmem>> -> memref<100x64xf32, #tpu.memory_space<vmem>>
    %dma_start3A_183 = arith.constant 0 : i32
    %dma_start3A_184 = tpu.memref_slice %arg11[%dma_start3A_179, %dma_start3A_183] : memref<256x100xi32, #tpu.memory_space<vmem>> -> memref<1x100xi32, #tpu.memory_space<vmem>>
    %dma_start3A_185 = tpu.memref_squeeze %dma_start3A_184 : memref<1x100xi32, #tpu.memory_space<vmem>> -> memref<100xi32, #tpu.memory_space<vmem>>
    %dma_start3A_186 = arith.constant 0 : i32
    %dma_start3A_187 = arith.constant 0 : i32
    %dma_start3A_188 = tpu.memref_slice %arg6[%dma_start3A_186, %dma_start3A_187] : memref<1000000x64xf32, #tpu.memory_space<hbm>> -> memref<1000000x64xf32, #tpu.memory_space<hbm>>
    tpu.enqueue_indirect_dma source(%dma_start3A_188 : memref<1000000x64xf32, #tpu.memory_space<hbm>>) target(%dma_start3A_182 : memref<100x64xf32, #tpu.memory_space<vmem>>) offsets(%dma_start3A_185 : memref<100xi32, #tpu.memory_space<vmem>>) semaphore(%arg19 : memref<!tpu.dma_semaphore, #tpu.memory_space<semaphore_mem>>)
    %dma_start3A_189 = arith.constant 2 : i32
    %dma_start3A_190 = arith.constant 0 : i32
    %dma_start3A_191 = arith.constant 0 : i32
    %dma_start3A_192 = tpu.memref_slice %arg15[%dma_start3A_190, %dma_start3A_191] : memref<200x64xf32, #tpu.memory_space<vmem>> -> memref<100x64xf32, #tpu.memory_space<vmem>>
    %dma_start3A_193 = arith.constant 0 : i32
    %dma_start3A_194 = tpu.memref_slice %arg11[%dma_start3A_189, %dma_start3A_193] : memref<256x100xi32, #tpu.memory_space<vmem>> -> memref<1x100xi32, #tpu.memory_space<vmem>>
    %dma_start3A_195 = tpu.memref_squeeze %dma_start3A_194 : memref<1x100xi32, #tpu.memory_space<vmem>> -> memref<100xi32, #tpu.memory_space<vmem>>
    %dma_start3A_196 = arith.constant 0 : i32
    %dma_start3A_197 = arith.constant 0 : i32
    %dma_start3A_198 = tpu.memref_slice %arg6[%dma_start3A_196, %dma_start3A_197] : memref<1000000x64xf32, #tpu.memory_space<hbm>> -> memref<1000000x64xf32, #tpu.memory_space<hbm>>
    tpu.enqueue_indirect_dma source(%dma_start3A_198 : memref<1000000x64xf32, #tpu.memory_space<hbm>>) target(%dma_start3A_192 : memref<100x64xf32, #tpu.memory_space<vmem>>) offsets(%dma_start3A_195 : memref<100xi32, #tpu.memory_space<vmem>>) semaphore(%arg20 : memref<!tpu.dma_semaphore, #tpu.memory_space<semaphore_mem>>)
    %dma_start3A_199 = arith.constant 3 : i32
    %dma_start3A_200 = arith.constant 100 : i32
    %dma_start3A_201 = arith.constant 0 : i32
    %dma_start3A_202 = tpu.memref_slice %arg15[%dma_start3A_200, %dma_start3A_201] : memref<200x64xf32, #tpu.memory_space<vmem>> -> memref<100x64xf32, #tpu.memory_space<vmem>>
    %dma_start3A_203 = arith.constant 0 : i32
    %dma_start3A_204 = tpu.memref_slice %arg11[%dma_start3A_199, %dma_start3A_203] : memref<256x100xi32, #tpu.memory_space<vmem>> -> memref<1x100xi32, #tpu.memory_space<vmem>>
    %dma_start3A_205 = tpu.memref_squeeze %dma_start3A_204 : memref<1x100xi32, #tpu.memory_space<vmem>> -> memref<100xi32, #tpu.memory_space<vmem>>
    %dma_start3A_206 = arith.constant 0 : i32
    %dma_start3A_207 = arith.constant 0 : i32
    %dma_start3A_208 = tpu.memref_slice %arg6[%dma_start3A_206, %dma_start3A_207] : memref<1000000x64xf32, #tpu.memory_space<hbm>> -> memref<1000000x64xf32, #tpu.memory_space<hbm>>
    tpu.enqueue_indirect_dma source(%dma_start3A_208 : memref<1000000x64xf32, #tpu.memory_space<hbm>>) target(%dma_start3A_202 : memref<100x64xf32, #tpu.memory_space<vmem>>) offsets(%dma_start3A_205 : memref<100xi32, #tpu.memory_space<vmem>>) semaphore(%arg20 : memref<!tpu.dma_semaphore, #tpu.memory_space<semaphore_mem>>)
    %scan3A = arith.constant 0 : i32
    %scan3A_209 = arith.constant 0 : i32
    %scan3A_210 = arith.constant 64 : i32
    %scan3A_211 = arith.addi %scan3A_209, %scan3A_210 : i32
    %scan3A_212 = arith.constant 1 : i32
    scf.for %scan3A_218 = %scan3A_209 to %scan3A_211 step %scan3A_212  : i32 {
      %mul3A_219 = arith.constant 2 : i32
      %mul3A_220 = arith.muli %mul3A_219, %scan3A_218 : i32
      %add3A_221 = arith.constant 0 : i32
      %add3A_222 = arith.addi %mul3A_220, %add3A_221 : i32
      %mul3A_223 = arith.constant 2 : i32
      %mul3A_224 = arith.muli %mul3A_223, %add3A_222 : i32
      %dma_wait3A_225 = arith.constant 0 : i32
      %dma_wait3A_226 = arith.constant 0 : i32
      %dma_wait3A_227 = tpu.memref_slice %arg14[%dma_wait3A_225, %dma_wait3A_226] : memref<200x64xf32, #tpu.memory_space<vmem>> -> memref<100x64xf32, #tpu.memory_space<vmem>>
      %dma_wait3A_228 = arith.constant 0 : i32
      %dma_wait3A_229 = tpu.memref_slice %arg11[%mul3A_224, %dma_wait3A_228] : memref<256x100xi32, #tpu.memory_space<vmem>> -> memref<1x100xi32, #tpu.memory_space<vmem>>
      %dma_wait3A_230 = tpu.memref_squeeze %dma_wait3A_229 : memref<1x100xi32, #tpu.memory_space<vmem>> -> memref<100xi32, #tpu.memory_space<vmem>>
      %dma_wait3A_231 = arith.constant 0 : i32
      %dma_wait3A_232 = arith.constant 0 : i32
      %dma_wait3A_233 = tpu.memref_slice %arg6[%dma_wait3A_231, %dma_wait3A_232] : memref<1000000x64xf32, #tpu.memory_space<hbm>> -> memref<1000000x64xf32, #tpu.memory_space<hbm>>
      tpu.wait_indirect_dma semaphore(%arg19 : memref<!tpu.dma_semaphore, #tpu.memory_space<semaphore_mem>>) src(%dma_wait3A_233 : memref<1000000x64xf32, #tpu.memory_space<hbm>>) dst(%dma_wait3A_227 : memref<100x64xf32, #tpu.memory_space<vmem>>)
      %mul3A_234 = arith.constant 2 : i32
      %mul3A_235 = arith.muli %mul3A_234, %add3A_222 : i32
      %add3A_236 = arith.constant 1 : i32
      %add3A_237 = arith.addi %mul3A_235, %add3A_236 : i32
      %dma_wait3A_238 = arith.constant 100 : i32
      %dma_wait3A_239 = arith.constant 0 : i32
      %dma_wait3A_240 = tpu.memref_slice %arg14[%dma_wait3A_238, %dma_wait3A_239] : memref<200x64xf32, #tpu.memory_space<vmem>> -> memref<100x64xf32, #tpu.memory_space<vmem>>
      %dma_wait3A_241 = arith.constant 0 : i32
      %dma_wait3A_242 = tpu.memref_slice %arg11[%add3A_237, %dma_wait3A_241] : memref<256x100xi32, #tpu.memory_space<vmem>> -> memref<1x100xi32, #tpu.memory_space<vmem>>
      %dma_wait3A_243 = tpu.memref_squeeze %dma_wait3A_242 : memref<1x100xi32, #tpu.memory_space<vmem>> -> memref<100xi32, #tpu.memory_space<vmem>>
      %dma_wait3A_244 = arith.constant 0 : i32
      %dma_wait3A_245 = arith.constant 0 : i32
      %dma_wait3A_246 = tpu.memref_slice %arg6[%dma_wait3A_244, %dma_wait3A_245] : memref<1000000x64xf32, #tpu.memory_space<hbm>> -> memref<1000000x64xf32, #tpu.memory_space<hbm>>
      tpu.wait_indirect_dma semaphore(%arg19 : memref<!tpu.dma_semaphore, #tpu.memory_space<semaphore_mem>>) src(%dma_wait3A_246 : memref<1000000x64xf32, #tpu.memory_space<hbm>>) dst(%dma_wait3A_240 : memref<100x64xf32, #tpu.memory_space<vmem>>)
      %get3A = arith.index_cast %add3A_222 : i32 to index
      %get3A_247 = arith.constant 0 : index
      %get3A_248 = tpu.vector_load %arg12[%get3A, %get3A_247] {strides = array<i32>} : memref<128x64xf32, #tpu.memory_space<vmem>>, vector<16xf32>,
      %get3A_249 = arith.index_cast %add3A_222 : i32 to index
      %get3A_250 = arith.constant 0 : index
      %get3A_251 = tpu.vector_load %arg13[%get3A_249, %get3A_250] {strides = array<i32>} : memref<128x64xf32, #tpu.memory_space<vmem>>, vector<16xf32>,
      %mul3A_252 = arith.mulf %get3A_248, %get3A_251 : vector<16xf32>
      %get3A_253 = arith.index_cast %add3A_222 : i32 to index
      %get3A_254 = arith.constant 16 : index
      %get3A_255 = tpu.vector_load %arg12[%get3A_253, %get3A_254] {strides = array<i32>} : memref<128x64xf32, #tpu.memory_space<vmem>>, vector<16xf32>,
      %get3A_256 = arith.index_cast %add3A_222 : i32 to index
      %get3A_257 = arith.constant 16 : index
      %get3A_258 = tpu.vector_load %arg13[%get3A_256, %get3A_257] {strides = array<i32>} : memref<128x64xf32, #tpu.memory_space<vmem>>, vector<16xf32>,
      %mul3A_259 = arith.mulf %get3A_255, %get3A_258 : vector<16xf32>
      %add3A_260 = arith.addf %mul3A_252, %mul3A_259 : vector<16xf32>
      %get3A_261 = arith.index_cast %add3A_222 : i32 to index
      %get3A_262 = arith.constant 32 : index
      %get3A_263 = tpu.vector_load %arg12[%get3A_261, %get3A_262] {strides = array<i32>} : memref<128x64xf32, #tpu.memory_space<vmem>>, vector<16xf32>,
      %get3A_264 = arith.index_cast %add3A_222 : i32 to index
      %get3A_265 = arith.constant 32 : index
      %get3A_266 = tpu.vector_load %arg13[%get3A_264, %get3A_265] {strides = array<i32>} : memref<128x64xf32, #tpu.memory_space<vmem>>, vector<16xf32>,
      %mul3A_267 = arith.mulf %get3A_263, %get3A_266 : vector<16xf32>
      %add3A_268 = arith.addf %add3A_260, %mul3A_267 : vector<16xf32>
      %get3A_269 = arith.index_cast %add3A_222 : i32 to index
      %get3A_270 = arith.constant 48 : index
      %get3A_271 = tpu.vector_load %arg12[%get3A_269, %get3A_270] {strides = array<i32>} : memref<128x64xf32, #tpu.memory_space<vmem>>, vector<16xf32>,
      %get3A_272 = arith.index_cast %add3A_222 : i32 to index
      %get3A_273 = arith.constant 48 : index
      %get3A_274 = tpu.vector_load %arg13[%get3A_272, %get3A_273] {strides = array<i32>} : memref<128x64xf32, #tpu.memory_space<vmem>>, vector<16xf32>,
      %mul3A_275 = arith.mulf %get3A_271, %get3A_274 : vector<16xf32>
      %add3A_276 = arith.addf %add3A_268, %mul3A_275 : vector<16xf32>
      %mul3A_277 = arith.constant 16 : i32
      %mul3A_278 = arith.muli %add3A_222, %mul3A_277 : i32
      %swap3A = arith.index_cast %mul3A_278 : i32 to index
      %swap3A_279 = tpu.vector_load %arg16[%swap3A] {strides = array<i32>} : memref<2048xf32, #tpu.memory_space<vmem>>, vector<16xf32>,
      tpu.vector_store %arg16[%swap3A], %add3A_276 {strides = array<i32>} : memref<2048xf32, #tpu.memory_space<vmem>>, vector<16xf32>,
      %broadcast_in_dim3A = arith.constant 0.000000e+00 : f32
      %broadcast_in_dim3A_280 = vector.broadcast %broadcast_in_dim3A : f32 to vector<16xf32>
      %broadcast_in_dim3A_281 = arith.constant 0.000000e+00 : f32
      %broadcast_in_dim3A_282 = vector.broadcast %broadcast_in_dim3A_281 : f32 to vector<16xf32>
      %broadcast_in_dim3A_283 = arith.constant 0.000000e+00 : f32
      %broadcast_in_dim3A_284 = vector.broadcast %broadcast_in_dim3A_283 : f32 to vector<16xf32>
      %broadcast_in_dim3A_285 = arith.constant 0.000000e+00 : f32
      %broadcast_in_dim3A_286 = vector.broadcast %broadcast_in_dim3A_285 : f32 to vector<16xf32>
      %broadcast_in_dim3A_287 = arith.constant 0.000000e+00 : f32
      %broadcast_in_dim3A_288 = vector.broadcast %broadcast_in_dim3A_287 : f32 to vector<16xf32>
      %broadcast_in_dim3A_289 = arith.constant 0.000000e+00 : f32
      %broadcast_in_dim3A_290 = vector.broadcast %broadcast_in_dim3A_289 : f32 to vector<16xf32>
      %broadcast_in_dim3A_291 = arith.constant 0.000000e+00 : f32
      %broadcast_in_dim3A_292 = vector.broadcast %broadcast_in_dim3A_291 : f32 to vector<16xf32>
      %broadcast_in_dim3A_293 = arith.constant 0.000000e+00 : f32
      %broadcast_in_dim3A_294 = vector.broadcast %broadcast_in_dim3A_293 : f32 to vector<16xf32>
      %broadcast_in_dim3A_295 = arith.constant 0.000000e+00 : f32
      %broadcast_in_dim3A_296 = vector.broadcast %broadcast_in_dim3A_295 : f32 to vector<16xf32>
      %broadcast_in_dim3A_297 = arith.constant 0.000000e+00 : f32
      %broadcast_in_dim3A_298 = vector.broadcast %broadcast_in_dim3A_297 : f32 to vector<16xf32>
      %broadcast_in_dim3A_299 = arith.constant 0.000000e+00 : f32
      %broadcast_in_dim3A_300 = vector.broadcast %broadcast_in_dim3A_299 : f32 to vector<16xf32>
      %broadcast_in_dim3A_301 = arith.constant 0.000000e+00 : f32
      %broadcast_in_dim3A_302 = vector.broadcast %broadcast_in_dim3A_301 : f32 to vector<16xf32>
      %broadcast_in_dim3A_303 = arith.constant 0.000000e+00 : f32
      %broadcast_in_dim3A_304 = vector.broadcast %broadcast_in_dim3A_303 : f32 to vector<16xf32>
      %scan3A_305 = arith.constant 0 : i32
      %scan3A_306 = arith.constant 64 : i32
      %scan3A_307 = arith.addi %scan3A_305, %scan3A_306 : i32
      %scan3A_308 = arith.constant 1 : i32
      %scan3A_309:13 = scf.for %scan3A_557 = %scan3A_305 to %scan3A_307 step %scan3A_308 iter_args(%scan3A_558 = %broadcast_in_dim3A_280, %scan3A_559 = %broadcast_in_dim3A_282, %scan3A_560 = %broadcast_in_dim3A_284, %scan3A_561 = %broadcast_in_dim3A_286, %scan3A_562 = %broadcast_in_dim3A_288, %scan3A_563 = %broadcast_in_dim3A_290, %scan3A_564 = %broadcast_in_dim3A_292, %scan3A_565 = %broadcast_in_dim3A_294, %scan3A_566 = %broadcast_in_dim3A_296, %scan3A_567 = %broadcast_in_dim3A_298, %scan3A_568 = %broadcast_in_dim3A_300, %scan3A_569 = %broadcast_in_dim3A_302, %scan3A_570 = %broadcast_in_dim3A_304) -> (vector<16xf32>, vector<16xf32>, vector<16xf32>, vector<16xf32>, vector<16xf32>, vector<16xf32>, vector<16xf32>, vector<16xf32>, vector<16xf32>, vector<16xf32>, vector<16xf32>, vector<16xf32>, vector<16xf32>)  : i32 {
        %broadcast_in_dim3A_571 = vector.broadcast %scan3A_557 : i32 to vector<16xi32>
        %broadcast_in_dim3A_572 = vector.broadcast %add3A_222 : i32 to vector<16xi32>
        %gather3A = tpu.vector_load_idx %arg12[%broadcast_in_dim3A_572, %broadcast_in_dim3A_571] : memref<128x64xf32, #tpu.memory_space<vmem>>[vector<16xi32>, vector<16xi32>], vector<16xf32>,
        %gather3A_573 = tpu.vector_load_idx %arg14[%min3A_14, %broadcast_in_dim3A_571] : memref<200x64xf32, #tpu.memory_space<vmem>>[vector<16xi32>, vector<16xi32>], vector<16xf32>,
        %mul3A_574 = arith.mulf %gather3A_573, %gather3A : vector<16xf32>
        %add3A_575 = arith.addf %scan3A_558, %mul3A_574 : vector<16xf32>
        %gather3A_576 = tpu.vector_load_idx %arg14[%min3A_20, %broadcast_in_dim3A_571] : memref<200x64xf32, #tpu.memory_space<vmem>>[vector<16xi32>, vector<16xi32>], vector<16xf32>,
        %mul3A_577 = arith.mulf %gather3A_576, %gather3A : vector<16xf32>
        %add3A_578 = arith.addf %scan3A_559, %mul3A_577 : vector<16xf32>
        %gather3A_579 = tpu.vector_load_idx %arg14[%min3A_26, %broadcast_in_dim3A_571] : memref<200x64xf32, #tpu.memory_space<vmem>>[vector<16xi32>, vector<16xi32>], vector<16xf32>,
        %mul3A_580 = arith.mulf %gather3A_579, %gather3A : vector<16xf32>
        %add3A_581 = arith.addf %scan3A_560, %mul3A_580 : vector<16xf32>
        %gather3A_582 = tpu.vector_load_idx %arg14[%min3A_32, %broadcast_in_dim3A_571] : memref<200x64xf32, #tpu.memory_space<vmem>>[vector<16xi32>, vector<16xi32>], vector<16xf32>,
        %mul3A_583 = arith.mulf %gather3A_582, %gather3A : vector<16xf32>
        %add3A_584 = arith.addf %scan3A_561, %mul3A_583 : vector<16xf32>
        %gather3A_585 = tpu.vector_load_idx %arg14[%min3A_38, %broadcast_in_dim3A_571] : memref<200x64xf32, #tpu.memory_space<vmem>>[vector<16xi32>, vector<16xi32>], vector<16xf32>,
        %mul3A_586 = arith.mulf %gather3A_585, %gather3A : vector<16xf32>
        %add3A_587 = arith.addf %scan3A_562, %mul3A_586 : vector<16xf32>
        %gather3A_588 = tpu.vector_load_idx %arg14[%min3A_44, %broadcast_in_dim3A_571] : memref<200x64xf32, #tpu.memory_space<vmem>>[vector<16xi32>, vector<16xi32>], vector<16xf32>,
        %mul3A_589 = arith.mulf %gather3A_588, %gather3A : vector<16xf32>
        %add3A_590 = arith.addf %scan3A_563, %mul3A_589 : vector<16xf32>
        %gather3A_591 = tpu.vector_load_idx %arg14[%min3A_50, %broadcast_in_dim3A_571] : memref<200x64xf32, #tpu.memory_space<vmem>>[vector<16xi32>, vector<16xi32>], vector<16xf32>,
        %mul3A_592 = arith.mulf %gather3A_591, %gather3A : vector<16xf32>
        %add3A_593 = arith.addf %scan3A_564, %mul3A_592 : vector<16xf32>
        %gather3A_594 = tpu.vector_load_idx %arg14[%min3A_56, %broadcast_in_dim3A_571] : memref<200x64xf32, #tpu.memory_space<vmem>>[vector<16xi32>, vector<16xi32>], vector<16xf32>,
        %mul3A_595 = arith.mulf %gather3A_594, %gather3A : vector<16xf32>
        %add3A_596 = arith.addf %scan3A_565, %mul3A_595 : vector<16xf32>
        %gather3A_597 = tpu.vector_load_idx %arg14[%min3A_62, %broadcast_in_dim3A_571] : memref<200x64xf32, #tpu.memory_space<vmem>>[vector<16xi32>, vector<16xi32>], vector<16xf32>,
        %mul3A_598 = arith.mulf %gather3A_597, %gather3A : vector<16xf32>
        %add3A_599 = arith.addf %scan3A_566, %mul3A_598 : vector<16xf32>
        %gather3A_600 = tpu.vector_load_idx %arg14[%min3A_68, %broadcast_in_dim3A_571] : memref<200x64xf32, #tpu.memory_space<vmem>>[vector<16xi32>, vector<16xi32>], vector<16xf32>,
        %mul3A_601 = arith.mulf %gather3A_600, %gather3A : vector<16xf32>
        %add3A_602 = arith.addf %scan3A_567, %mul3A_601 : vector<16xf32>
        %gather3A_603 = tpu.vector_load_idx %arg14[%min3A_74, %broadcast_in_dim3A_571] : memref<200x64xf32, #tpu.memory_space<vmem>>[vector<16xi32>, vector<16xi32>], vector<16xf32>,
        %mul3A_604 = arith.mulf %gather3A_603, %gather3A : vector<16xf32>
        %add3A_605 = arith.addf %scan3A_568, %mul3A_604 : vector<16xf32>
        %gather3A_606 = tpu.vector_load_idx %arg14[%min3A_80, %broadcast_in_dim3A_571] : memref<200x64xf32, #tpu.memory_space<vmem>>[vector<16xi32>, vector<16xi32>], vector<16xf32>,
        %mul3A_607 = arith.mulf %gather3A_606, %gather3A : vector<16xf32>
        %add3A_608 = arith.addf %scan3A_569, %mul3A_607 : vector<16xf32>
        %gather3A_609 = tpu.vector_load_idx %arg14[%min3A_86, %broadcast_in_dim3A_571] : memref<200x64xf32, #tpu.memory_space<vmem>>[vector<16xi32>, vector<16xi32>], vector<16xf32>,
        %mul3A_610 = arith.mulf %gather3A_609, %gather3A : vector<16xf32>
        %add3A_611 = arith.addf %scan3A_570, %mul3A_610 : vector<16xf32>
        scf.yield %add3A_575, %add3A_578, %add3A_581, %add3A_584, %add3A_587, %add3A_590, %add3A_593, %add3A_596, %add3A_599, %add3A_602, %add3A_605, %add3A_608, %add3A_611 : vector<16xf32>, vector<16xf32>, vector<16xf32>, vector<16xf32>, vector<16xf32>, vector<16xf32>, vector<16xf32>, vector<16xf32>, vector<16xf32>, vector<16xf32>, vector<16xf32>, vector<16xf32>, vector<16xf32>
      }
      %scan3A_310 = arith.constant 64 : i32
      %broadcast_in_dim3A_311 = arith.constant 0.000000e+00 : f32
      %broadcast_in_dim3A_312 = vector.broadcast %broadcast_in_dim3A_311 : f32 to vector<16xf32>
      %exp3A = math.exp %scan3A_309#0 : vector<16xf32>
      %jit3A = arith.constant 0.000000e+00 : f32
      %broadcast_in_dim3A_313 = vector.broadcast %jit3A : f32 to vector<16xf32>
      %select_n3A = arith.select %lt3A_91, %exp3A, %broadcast_in_dim3A_313 : vector<16xi1>, vector<16xf32>
      %add3A_314 = arith.addf %broadcast_in_dim3A_312, %select_n3A : vector<16xf32>
      %exp3A_315 = math.exp %scan3A_309#1 : vector<16xf32>
      %jit3A_316 = arith.constant 0.000000e+00 : f32
      %broadcast_in_dim3A_317 = vector.broadcast %jit3A_316 : f32 to vector<16xf32>
      %select_n3A_318 = arith.select %lt3A_97, %exp3A_315, %broadcast_in_dim3A_317 : vector<16xi1>, vector<16xf32>
      %add3A_319 = arith.addf %add3A_314, %select_n3A_318 : vector<16xf32>
      %exp3A_320 = math.exp %scan3A_309#2 : vector<16xf32>
      %jit3A_321 = arith.constant 0.000000e+00 : f32
      %broadcast_in_dim3A_322 = vector.broadcast %jit3A_321 : f32 to vector<16xf32>
      %select_n3A_323 = arith.select %lt3A_103, %exp3A_320, %broadcast_in_dim3A_322 : vector<16xi1>, vector<16xf32>
      %add3A_324 = arith.addf %add3A_319, %select_n3A_323 : vector<16xf32>
      %exp3A_325 = math.exp %scan3A_309#3 : vector<16xf32>
      %jit3A_326 = arith.constant 0.000000e+00 : f32
      %broadcast_in_dim3A_327 = vector.broadcast %jit3A_326 : f32 to vector<16xf32>
      %select_n3A_328 = arith.select %lt3A_109, %exp3A_325, %broadcast_in_dim3A_327 : vector<16xi1>, vector<16xf32>
      %add3A_329 = arith.addf %add3A_324, %select_n3A_328 : vector<16xf32>
      %exp3A_330 = math.exp %scan3A_309#4 : vector<16xf32>
      %jit3A_331 = arith.constant 0.000000e+00 : f32
      %broadcast_in_dim3A_332 = vector.broadcast %jit3A_331 : f32 to vector<16xf32>
      %select_n3A_333 = arith.select %lt3A_115, %exp3A_330, %broadcast_in_dim3A_332 : vector<16xi1>, vector<16xf32>
      %add3A_334 = arith.addf %add3A_329, %select_n3A_333 : vector<16xf32>
      %exp3A_335 = math.exp %scan3A_309#5 : vector<16xf32>
      %jit3A_336 = arith.constant 0.000000e+00 : f32
      %broadcast_in_dim3A_337 = vector.broadcast %jit3A_336 : f32 to vector<16xf32>
      %select_n3A_338 = arith.select %lt3A_121, %exp3A_335, %broadcast_in_dim3A_337 : vector<16xi1>, vector<16xf32>
      %add3A_339 = arith.addf %add3A_334, %select_n3A_338 : vector<16xf32>
      %exp3A_340 = math.exp %scan3A_309#6 : vector<16xf32>
      %jit3A_341 = arith.constant 0.000000e+00 : f32
      %broadcast_in_dim3A_342 = vector.broadcast %jit3A_341 : f32 to vector<16xf32>
      %select_n3A_343 = arith.select %lt3A_127, %exp3A_340, %broadcast_in_dim3A_342 : vector<16xi1>, vector<16xf32>
      %add3A_344 = arith.addf %add3A_339, %select_n3A_343 : vector<16xf32>
      %exp3A_345 = math.exp %scan3A_309#7 : vector<16xf32>
      %jit3A_346 = arith.constant 0.000000e+00 : f32
      %broadcast_in_dim3A_347 = vector.broadcast %jit3A_346 : f32 to vector<16xf32>
      %select_n3A_348 = arith.select %lt3A_133, %exp3A_345, %broadcast_in_dim3A_347 : vector<16xi1>, vector<16xf32>
      %add3A_349 = arith.addf %add3A_344, %select_n3A_348 : vector<16xf32>
      %exp3A_350 = math.exp %scan3A_309#8 : vector<16xf32>
      %jit3A_351 = arith.constant 0.000000e+00 : f32
      %broadcast_in_dim3A_352 = vector.broadcast %jit3A_351 : f32 to vector<16xf32>
      %select_n3A_353 = arith.select %lt3A_139, %exp3A_350, %broadcast_in_dim3A_352 : vector<16xi1>, vector<16xf32>
      %add3A_354 = arith.addf %add3A_349, %select_n3A_353 : vector<16xf32>
      %exp3A_355 = math.exp %scan3A_309#9 : vector<16xf32>
      %jit3A_356 = arith.constant 0.000000e+00 : f32
      %broadcast_in_dim3A_357 = vector.broadcast %jit3A_356 : f32 to vector<16xf32>
      %select_n3A_358 = arith.select %lt3A_145, %exp3A_355, %broadcast_in_dim3A_357 : vector<16xi1>, vector<16xf32>
      %add3A_359 = arith.addf %add3A_354, %select_n3A_358 : vector<16xf32>
      %exp3A_360 = math.exp %scan3A_309#10 : vector<16xf32>
      %jit3A_361 = arith.constant 0.000000e+00 : f32
      %broadcast_in_dim3A_362 = vector.broadcast %jit3A_361 : f32 to vector<16xf32>
      %select_n3A_363 = arith.select %lt3A_151, %exp3A_360, %broadcast_in_dim3A_362 : vector<16xi1>, vector<16xf32>
      %add3A_364 = arith.addf %add3A_359, %select_n3A_363 : vector<16xf32>
      %exp3A_365 = math.exp %scan3A_309#11 : vector<16xf32>
      %jit3A_366 = arith.constant 0.000000e+00 : f32
      %broadcast_in_dim3A_367 = vector.broadcast %jit3A_366 : f32 to vector<16xf32>
      %select_n3A_368 = arith.select %lt3A_157, %exp3A_365, %broadcast_in_dim3A_367 : vector<16xi1>, vector<16xf32>
      %add3A_369 = arith.addf %add3A_364, %select_n3A_368 : vector<16xf32>
      %exp3A_370 = math.exp %scan3A_309#12 : vector<16xf32>
      %jit3A_371 = arith.constant 0.000000e+00 : f32
      %broadcast_in_dim3A_372 = vector.broadcast %jit3A_371 : f32 to vector<16xf32>
      %select_n3A_373 = arith.select %lt3A_163, %exp3A_370, %broadcast_in_dim3A_372 : vector<16xi1>, vector<16xf32>
      %add3A_374 = arith.addf %add3A_369, %select_n3A_373 : vector<16xf32>
      %mul3A_375 = arith.constant 16 : i32
      %mul3A_376 = arith.muli %add3A_222, %mul3A_375 : i32
      %swap3A_377 = arith.index_cast %mul3A_376 : i32 to index
      %swap3A_378 = tpu.vector_load %arg17[%swap3A_377] {strides = array<i32>} : memref<2048xf32, #tpu.memory_space<vmem>>, vector<16xf32>,
      tpu.vector_store %arg17[%swap3A_377], %add3A_374 {strides = array<i32>} : memref<2048xf32, #tpu.memory_space<vmem>>, vector<16xf32>,
      %add3A_379 = arith.constant 2 : i32
      %add3A_380 = arith.addi %add3A_222, %add3A_379 : i32
      %lt3A_381 = arith.constant 128 : i32
      %lt3A_382 = arith.cmpi slt, %add3A_380, %lt3A_381 : i32
      %convert_element_type3A = arith.extui %lt3A_382 : i1 to i32
      %cond3A = arith.constant 0 : i32
      %cond3A_383 = arith.cmpi ne, %convert_element_type3A, %cond3A : i32
      scf.if %cond3A_383 {
        %add3A_557 = arith.constant 2 : i32
        %add3A_558 = arith.addi %add3A_222, %add3A_557 : i32
        %mul3A_559 = arith.constant 2 : i32
        %mul3A_560 = arith.muli %mul3A_559, %add3A_558 : i32
        %dma_start3A_561 = arith.constant 0 : i32
        %dma_start3A_562 = arith.constant 0 : i32
        %dma_start3A_563 = tpu.memref_slice %arg14[%dma_start3A_561, %dma_start3A_562] : memref<200x64xf32, #tpu.memory_space<vmem>> -> memref<100x64xf32, #tpu.memory_space<vmem>>
        %dma_start3A_564 = arith.constant 0 : i32
        %dma_start3A_565 = tpu.memref_slice %arg11[%mul3A_560, %dma_start3A_564] : memref<256x100xi32, #tpu.memory_space<vmem>> -> memref<1x100xi32, #tpu.memory_space<vmem>>
        %dma_start3A_566 = tpu.memref_squeeze %dma_start3A_565 : memref<1x100xi32, #tpu.memory_space<vmem>> -> memref<100xi32, #tpu.memory_space<vmem>>
        %dma_start3A_567 = arith.constant 0 : i32
        %dma_start3A_568 = arith.constant 0 : i32
        %dma_start3A_569 = tpu.memref_slice %arg6[%dma_start3A_567, %dma_start3A_568] : memref<1000000x64xf32, #tpu.memory_space<hbm>> -> memref<1000000x64xf32, #tpu.memory_space<hbm>>
        tpu.enqueue_indirect_dma source(%dma_start3A_569 : memref<1000000x64xf32, #tpu.memory_space<hbm>>) target(%dma_start3A_563 : memref<100x64xf32, #tpu.memory_space<vmem>>) offsets(%dma_start3A_566 : memref<100xi32, #tpu.memory_space<vmem>>) semaphore(%arg19 : memref<!tpu.dma_semaphore, #tpu.memory_space<semaphore_mem>>)
        %mul3A_570 = arith.constant 2 : i32
        %mul3A_571 = arith.muli %mul3A_570, %add3A_558 : i32
        %add3A_572 = arith.constant 1 : i32
        %add3A_573 = arith.addi %mul3A_571, %add3A_572 : i32
        %dma_start3A_574 = arith.constant 100 : i32
        %dma_start3A_575 = arith.constant 0 : i32
        %dma_start3A_576 = tpu.memref_slice %arg14[%dma_start3A_574, %dma_start3A_575] : memref<200x64xf32, #tpu.memory_space<vmem>> -> memref<100x64xf32, #tpu.memory_space<vmem>>
        %dma_start3A_577 = arith.constant 0 : i32
        %dma_start3A_578 = tpu.memref_slice %arg11[%add3A_573, %dma_start3A_577] : memref<256x100xi32, #tpu.memory_space<vmem>> -> memref<1x100xi32, #tpu.memory_space<vmem>>
        %dma_start3A_579 = tpu.memref_squeeze %dma_start3A_578 : memref<1x100xi32, #tpu.memory_space<vmem>> -> memref<100xi32, #tpu.memory_space<vmem>>
        %dma_start3A_580 = arith.constant 0 : i32
        %dma_start3A_581 = arith.constant 0 : i32
        %dma_start3A_582 = tpu.memref_slice %arg6[%dma_start3A_580, %dma_start3A_581] : memref<1000000x64xf32, #tpu.memory_space<hbm>> -> memref<1000000x64xf32, #tpu.memory_space<hbm>>
        tpu.enqueue_indirect_dma source(%dma_start3A_582 : memref<1000000x64xf32, #tpu.memory_space<hbm>>) target(%dma_start3A_576 : memref<100x64xf32, #tpu.memory_space<vmem>>) offsets(%dma_start3A_579 : memref<100xi32, #tpu.memory_space<vmem>>) semaphore(%arg19 : memref<!tpu.dma_semaphore, #tpu.memory_space<semaphore_mem>>)
      } else {
      }
      %mul3A_384 = arith.constant 2 : i32
      %mul3A_385 = arith.muli %mul3A_384, %scan3A_218 : i32
      %add3A_386 = arith.constant 1 : i32
      %add3A_387 = arith.addi %mul3A_385, %add3A_386 : i32
      %mul3A_388 = arith.constant 2 : i32
      %mul3A_389 = arith.muli %mul3A_388, %add3A_387 : i32
      %dma_wait3A_390 = arith.constant 0 : i32
      %dma_wait3A_391 = arith.constant 0 : i32
      %dma_wait3A_392 = tpu.memref_slice %arg15[%dma_wait3A_390, %dma_wait3A_391] : memref<200x64xf32, #tpu.memory_space<vmem>> -> memref<100x64xf32, #tpu.memory_space<vmem>>
      %dma_wait3A_393 = arith.constant 0 : i32
      %dma_wait3A_394 = tpu.memref_slice %arg11[%mul3A_389, %dma_wait3A_393] : memref<256x100xi32, #tpu.memory_space<vmem>> -> memref<1x100xi32, #tpu.memory_space<vmem>>
      %dma_wait3A_395 = tpu.memref_squeeze %dma_wait3A_394 : memref<1x100xi32, #tpu.memory_space<vmem>> -> memref<100xi32, #tpu.memory_space<vmem>>
      %dma_wait3A_396 = arith.constant 0 : i32
      %dma_wait3A_397 = arith.constant 0 : i32
      %dma_wait3A_398 = tpu.memref_slice %arg6[%dma_wait3A_396, %dma_wait3A_397] : memref<1000000x64xf32, #tpu.memory_space<hbm>> -> memref<1000000x64xf32, #tpu.memory_space<hbm>>
      tpu.wait_indirect_dma semaphore(%arg20 : memref<!tpu.dma_semaphore, #tpu.memory_space<semaphore_mem>>) src(%dma_wait3A_398 : memref<1000000x64xf32, #tpu.memory_space<hbm>>) dst(%dma_wait3A_392 : memref<100x64xf32, #tpu.memory_space<vmem>>)
      %mul3A_399 = arith.constant 2 : i32
      %mul3A_400 = arith.muli %mul3A_399, %add3A_387 : i32
      %add3A_401 = arith.constant 1 : i32
      %add3A_402 = arith.addi %mul3A_400, %add3A_401 : i32
      %dma_wait3A_403 = arith.constant 100 : i32
      %dma_wait3A_404 = arith.constant 0 : i32
      %dma_wait3A_405 = tpu.memref_slice %arg15[%dma_wait3A_403, %dma_wait3A_404] : memref<200x64xf32, #tpu.memory_space<vmem>> -> memref<100x64xf32, #tpu.memory_space<vmem>>
      %dma_wait3A_406 = arith.constant 0 : i32
      %dma_wait3A_407 = tpu.memref_slice %arg11[%add3A_402, %dma_wait3A_406] : memref<256x100xi32, #tpu.memory_space<vmem>> -> memref<1x100xi32, #tpu.memory_space<vmem>>
      %dma_wait3A_408 = tpu.memref_squeeze %dma_wait3A_407 : memref<1x100xi32, #tpu.memory_space<vmem>> -> memref<100xi32, #tpu.memory_space<vmem>>
      %dma_wait3A_409 = arith.constant 0 : i32
      %dma_wait3A_410 = arith.constant 0 : i32
      %dma_wait3A_411 = tpu.memref_slice %arg6[%dma_wait3A_409, %dma_wait3A_410] : memref<1000000x64xf32, #tpu.memory_space<hbm>> -> memref<1000000x64xf32, #tpu.memory_space<hbm>>
      tpu.wait_indirect_dma semaphore(%arg20 : memref<!tpu.dma_semaphore, #tpu.memory_space<semaphore_mem>>) src(%dma_wait3A_411 : memref<1000000x64xf32, #tpu.memory_space<hbm>>) dst(%dma_wait3A_405 : memref<100x64xf32, #tpu.memory_space<vmem>>)
      %get3A_412 = arith.index_cast %add3A_387 : i32 to index
      %get3A_413 = arith.constant 0 : index
      %get3A_414 = tpu.vector_load %arg12[%get3A_412, %get3A_413] {strides = array<i32>} : memref<128x64xf32, #tpu.memory_space<vmem>>, vector<16xf32>,
      %get3A_415 = arith.index_cast %add3A_387 : i32 to index
      %get3A_416 = arith.constant 0 : index
      %get3A_417 = tpu.vector_load %arg13[%get3A_415, %get3A_416] {strides = array<i32>} : memref<128x64xf32, #tpu.memory_space<vmem>>, vector<16xf32>,
      %mul3A_418 = arith.mulf %get3A_414, %get3A_417 : vector<16xf32>
      %get3A_419 = arith.index_cast %add3A_387 : i32 to index
      %get3A_420 = arith.constant 16 : index
      %get3A_421 = tpu.vector_load %arg12[%get3A_419, %get3A_420] {strides = array<i32>} : memref<128x64xf32, #tpu.memory_space<vmem>>, vector<16xf32>,
      %get3A_422 = arith.index_cast %add3A_387 : i32 to index
      %get3A_423 = arith.constant 16 : index
      %get3A_424 = tpu.vector_load %arg13[%get3A_422, %get3A_423] {strides = array<i32>} : memref<128x64xf32, #tpu.memory_space<vmem>>, vector<16xf32>,
      %mul3A_425 = arith.mulf %get3A_421, %get3A_424 : vector<16xf32>
      %add3A_426 = arith.addf %mul3A_418, %mul3A_425 : vector<16xf32>
      %get3A_427 = arith.index_cast %add3A_387 : i32 to index
      %get3A_428 = arith.constant 32 : index
      %get3A_429 = tpu.vector_load %arg12[%get3A_427, %get3A_428] {strides = array<i32>} : memref<128x64xf32, #tpu.memory_space<vmem>>, vector<16xf32>,
      %get3A_430 = arith.index_cast %add3A_387 : i32 to index
      %get3A_431 = arith.constant 32 : index
      %get3A_432 = tpu.vector_load %arg13[%get3A_430, %get3A_431] {strides = array<i32>} : memref<128x64xf32, #tpu.memory_space<vmem>>, vector<16xf32>,
      %mul3A_433 = arith.mulf %get3A_429, %get3A_432 : vector<16xf32>
      %add3A_434 = arith.addf %add3A_426, %mul3A_433 : vector<16xf32>
      %get3A_435 = arith.index_cast %add3A_387 : i32 to index
      %get3A_436 = arith.constant 48 : index
      %get3A_437 = tpu.vector_load %arg12[%get3A_435, %get3A_436] {strides = array<i32>} : memref<128x64xf32, #tpu.memory_space<vmem>>, vector<16xf32>,
      %get3A_438 = arith.index_cast %add3A_387 : i32 to index
      %get3A_439 = arith.constant 48 : index
      %get3A_440 = tpu.vector_load %arg13[%get3A_438, %get3A_439] {strides = array<i32>} : memref<128x64xf32, #tpu.memory_space<vmem>>, vector<16xf32>,
      %mul3A_441 = arith.mulf %get3A_437, %get3A_440 : vector<16xf32>
      %add3A_442 = arith.addf %add3A_434, %mul3A_441 : vector<16xf32>
      %mul3A_443 = arith.constant 16 : i32
      %mul3A_444 = arith.muli %add3A_387, %mul3A_443 : i32
      %swap3A_445 = arith.index_cast %mul3A_444 : i32 to index
      %swap3A_446 = tpu.vector_load %arg16[%swap3A_445] {strides = array<i32>} : memref<2048xf32, #tpu.memory_space<vmem>>, vector<16xf32>,
      tpu.vector_store %arg16[%swap3A_445], %add3A_442 {strides = array<i32>} : memref<2048xf32, #tpu.memory_space<vmem>>, vector<16xf32>,
      %broadcast_in_dim3A_447 = arith.constant 0.000000e+00 : f32
      %broadcast_in_dim3A_448 = vector.broadcast %broadcast_in_dim3A_447 : f32 to vector<16xf32>
      %broadcast_in_dim3A_449 = arith.constant 0.000000e+00 : f32
      %broadcast_in_dim3A_450 = vector.broadcast %broadcast_in_dim3A_449 : f32 to vector<16xf32>
      %broadcast_in_dim3A_451 = arith.constant 0.000000e+00 : f32
      %broadcast_in_dim3A_452 = vector.broadcast %broadcast_in_dim3A_451 : f32 to vector<16xf32>
      %broadcast_in_dim3A_453 = arith.constant 0.000000e+00 : f32
      %broadcast_in_dim3A_454 = vector.broadcast %broadcast_in_dim3A_453 : f32 to vector<16xf32>
      %broadcast_in_dim3A_455 = arith.constant 0.000000e+00 : f32
      %broadcast_in_dim3A_456 = vector.broadcast %broadcast_in_dim3A_455 : f32 to vector<16xf32>
      %broadcast_in_dim3A_457 = arith.constant 0.000000e+00 : f32
      %broadcast_in_dim3A_458 = vector.broadcast %broadcast_in_dim3A_457 : f32 to vector<16xf32>
      %broadcast_in_dim3A_459 = arith.constant 0.000000e+00 : f32
      %broadcast_in_dim3A_460 = vector.broadcast %broadcast_in_dim3A_459 : f32 to vector<16xf32>
      %broadcast_in_dim3A_461 = arith.constant 0.000000e+00 : f32
      %broadcast_in_dim3A_462 = vector.broadcast %broadcast_in_dim3A_461 : f32 to vector<16xf32>
      %broadcast_in_dim3A_463 = arith.constant 0.000000e+00 : f32
      %broadcast_in_dim3A_464 = vector.broadcast %broadcast_in_dim3A_463 : f32 to vector<16xf32>
      %broadcast_in_dim3A_465 = arith.constant 0.000000e+00 : f32
      %broadcast_in_dim3A_466 = vector.broadcast %broadcast_in_dim3A_465 : f32 to vector<16xf32>
      %broadcast_in_dim3A_467 = arith.constant 0.000000e+00 : f32
      %broadcast_in_dim3A_468 = vector.broadcast %broadcast_in_dim3A_467 : f32 to vector<16xf32>
      %broadcast_in_dim3A_469 = arith.constant 0.000000e+00 : f32
      %broadcast_in_dim3A_470 = vector.broadcast %broadcast_in_dim3A_469 : f32 to vector<16xf32>
      %broadcast_in_dim3A_471 = arith.constant 0.000000e+00 : f32
      %broadcast_in_dim3A_472 = vector.broadcast %broadcast_in_dim3A_471 : f32 to vector<16xf32>
      %scan3A_473 = arith.constant 0 : i32
      %scan3A_474 = arith.constant 64 : i32
      %scan3A_475 = arith.addi %scan3A_473, %scan3A_474 : i32
      %scan3A_476 = arith.constant 1 : i32
      %scan3A_477:13 = scf.for %scan3A_557 = %scan3A_473 to %scan3A_475 step %scan3A_476 iter_args(%scan3A_558 = %broadcast_in_dim3A_448, %scan3A_559 = %broadcast_in_dim3A_450, %scan3A_560 = %broadcast_in_dim3A_452, %scan3A_561 = %broadcast_in_dim3A_454, %scan3A_562 = %broadcast_in_dim3A_456, %scan3A_563 = %broadcast_in_dim3A_458, %scan3A_564 = %broadcast_in_dim3A_460, %scan3A_565 = %broadcast_in_dim3A_462, %scan3A_566 = %broadcast_in_dim3A_464, %scan3A_567 = %broadcast_in_dim3A_466, %scan3A_568 = %broadcast_in_dim3A_468, %scan3A_569 = %broadcast_in_dim3A_470, %scan3A_570 = %broadcast_in_dim3A_472) -> (vector<16xf32>, vector<16xf32>, vector<16xf32>, vector<16xf32>, vector<16xf32>, vector<16xf32>, vector<16xf32>, vector<16xf32>, vector<16xf32>, vector<16xf32>, vector<16xf32>, vector<16xf32>, vector<16xf32>)  : i32 {
        %broadcast_in_dim3A_571 = vector.broadcast %scan3A_557 : i32 to vector<16xi32>
        %broadcast_in_dim3A_572 = vector.broadcast %add3A_387 : i32 to vector<16xi32>
        %gather3A = tpu.vector_load_idx %arg12[%broadcast_in_dim3A_572, %broadcast_in_dim3A_571] : memref<128x64xf32, #tpu.memory_space<vmem>>[vector<16xi32>, vector<16xi32>], vector<16xf32>,
        %gather3A_573 = tpu.vector_load_idx %arg15[%min3A_14, %broadcast_in_dim3A_571] : memref<200x64xf32, #tpu.memory_space<vmem>>[vector<16xi32>, vector<16xi32>], vector<16xf32>,
        %mul3A_574 = arith.mulf %gather3A_573, %gather3A : vector<16xf32>
        %add3A_575 = arith.addf %scan3A_558, %mul3A_574 : vector<16xf32>
        %gather3A_576 = tpu.vector_load_idx %arg15[%min3A_20, %broadcast_in_dim3A_571] : memref<200x64xf32, #tpu.memory_space<vmem>>[vector<16xi32>, vector<16xi32>], vector<16xf32>,
        %mul3A_577 = arith.mulf %gather3A_576, %gather3A : vector<16xf32>
        %add3A_578 = arith.addf %scan3A_559, %mul3A_577 : vector<16xf32>
        %gather3A_579 = tpu.vector_load_idx %arg15[%min3A_26, %broadcast_in_dim3A_571] : memref<200x64xf32, #tpu.memory_space<vmem>>[vector<16xi32>, vector<16xi32>], vector<16xf32>,
        %mul3A_580 = arith.mulf %gather3A_579, %gather3A : vector<16xf32>
        %add3A_581 = arith.addf %scan3A_560, %mul3A_580 : vector<16xf32>
        %gather3A_582 = tpu.vector_load_idx %arg15[%min3A_32, %broadcast_in_dim3A_571] : memref<200x64xf32, #tpu.memory_space<vmem>>[vector<16xi32>, vector<16xi32>], vector<16xf32>,
        %mul3A_583 = arith.mulf %gather3A_582, %gather3A : vector<16xf32>
        %add3A_584 = arith.addf %scan3A_561, %mul3A_583 : vector<16xf32>
        %gather3A_585 = tpu.vector_load_idx %arg15[%min3A_38, %broadcast_in_dim3A_571] : memref<200x64xf32, #tpu.memory_space<vmem>>[vector<16xi32>, vector<16xi32>], vector<16xf32>,
        %mul3A_586 = arith.mulf %gather3A_585, %gather3A : vector<16xf32>
        %add3A_587 = arith.addf %scan3A_562, %mul3A_586 : vector<16xf32>
        %gather3A_588 = tpu.vector_load_idx %arg15[%min3A_44, %broadcast_in_dim3A_571] : memref<200x64xf32, #tpu.memory_space<vmem>>[vector<16xi32>, vector<16xi32>], vector<16xf32>,
        %mul3A_589 = arith.mulf %gather3A_588, %gather3A : vector<16xf32>
        %add3A_590 = arith.addf %scan3A_563, %mul3A_589 : vector<16xf32>
        %gather3A_591 = tpu.vector_load_idx %arg15[%min3A_50, %broadcast_in_dim3A_571] : memref<200x64xf32, #tpu.memory_space<vmem>>[vector<16xi32>, vector<16xi32>], vector<16xf32>,
        %mul3A_592 = arith.mulf %gather3A_591, %gather3A : vector<16xf32>
        %add3A_593 = arith.addf %scan3A_564, %mul3A_592 : vector<16xf32>
        %gather3A_594 = tpu.vector_load_idx %arg15[%min3A_56, %broadcast_in_dim3A_571] : memref<200x64xf32, #tpu.memory_space<vmem>>[vector<16xi32>, vector<16xi32>], vector<16xf32>,
        %mul3A_595 = arith.mulf %gather3A_594, %gather3A : vector<16xf32>
        %add3A_596 = arith.addf %scan3A_565, %mul3A_595 : vector<16xf32>
        %gather3A_597 = tpu.vector_load_idx %arg15[%min3A_62, %broadcast_in_dim3A_571] : memref<200x64xf32, #tpu.memory_space<vmem>>[vector<16xi32>, vector<16xi32>], vector<16xf32>,
        %mul3A_598 = arith.mulf %gather3A_597, %gather3A : vector<16xf32>
        %add3A_599 = arith.addf %scan3A_566, %mul3A_598 : vector<16xf32>
        %gather3A_600 = tpu.vector_load_idx %arg15[%min3A_68, %broadcast_in_dim3A_571] : memref<200x64xf32, #tpu.memory_space<vmem>>[vector<16xi32>, vector<16xi32>], vector<16xf32>,
        %mul3A_601 = arith.mulf %gather3A_600, %gather3A : vector<16xf32>
        %add3A_602 = arith.addf %scan3A_567, %mul3A_601 : vector<16xf32>
        %gather3A_603 = tpu.vector_load_idx %arg15[%min3A_74, %broadcast_in_dim3A_571] : memref<200x64xf32, #tpu.memory_space<vmem>>[vector<16xi32>, vector<16xi32>], vector<16xf32>,
        %mul3A_604 = arith.mulf %gather3A_603, %gather3A : vector<16xf32>
        %add3A_605 = arith.addf %scan3A_568, %mul3A_604 : vector<16xf32>
        %gather3A_606 = tpu.vector_load_idx %arg15[%min3A_80, %broadcast_in_dim3A_571] : memref<200x64xf32, #tpu.memory_space<vmem>>[vector<16xi32>, vector<16xi32>], vector<16xf32>,
        %mul3A_607 = arith.mulf %gather3A_606, %gather3A : vector<16xf32>
        %add3A_608 = arith.addf %scan3A_569, %mul3A_607 : vector<16xf32>
        %gather3A_609 = tpu.vector_load_idx %arg15[%min3A_86, %broadcast_in_dim3A_571] : memref<200x64xf32, #tpu.memory_space<vmem>>[vector<16xi32>, vector<16xi32>], vector<16xf32>,
        %mul3A_610 = arith.mulf %gather3A_609, %gather3A : vector<16xf32>
        %add3A_611 = arith.addf %scan3A_570, %mul3A_610 : vector<16xf32>
        scf.yield %add3A_575, %add3A_578, %add3A_581, %add3A_584, %add3A_587, %add3A_590, %add3A_593, %add3A_596, %add3A_599, %add3A_602, %add3A_605, %add3A_608, %add3A_611 : vector<16xf32>, vector<16xf32>, vector<16xf32>, vector<16xf32>, vector<16xf32>, vector<16xf32>, vector<16xf32>, vector<16xf32>, vector<16xf32>, vector<16xf32>, vector<16xf32>, vector<16xf32>, vector<16xf32>
      }
      %scan3A_478 = arith.constant 64 : i32
      %broadcast_in_dim3A_479 = arith.constant 0.000000e+00 : f32
      %broadcast_in_dim3A_480 = vector.broadcast %broadcast_in_dim3A_479 : f32 to vector<16xf32>
      %exp3A_481 = math.exp %scan3A_477#0 : vector<16xf32>
      %jit3A_482 = arith.constant 0.000000e+00 : f32
      %broadcast_in_dim3A_483 = vector.broadcast %jit3A_482 : f32 to vector<16xf32>
      %select_n3A_484 = arith.select %lt3A_91, %exp3A_481, %broadcast_in_dim3A_483 : vector<16xi1>, vector<16xf32>
      %add3A_485 = arith.addf %broadcast_in_dim3A_480, %select_n3A_484 : vector<16xf32>
      %exp3A_486 = math.exp %scan3A_477#1 : vector<16xf32>
      %jit3A_487 = arith.constant 0.000000e+00 : f32
      %broadcast_in_dim3A_488 = vector.broadcast %jit3A_487 : f32 to vector<16xf32>
      %select_n3A_489 = arith.select %lt3A_97, %exp3A_486, %broadcast_in_dim3A_488 : vector<16xi1>, vector<16xf32>
      %add3A_490 = arith.addf %add3A_485, %select_n3A_489 : vector<16xf32>
      %exp3A_491 = math.exp %scan3A_477#2 : vector<16xf32>
      %jit3A_492 = arith.constant 0.000000e+00 : f32
      %broadcast_in_dim3A_493 = vector.broadcast %jit3A_492 : f32 to vector<16xf32>
      %select_n3A_494 = arith.select %lt3A_103, %exp3A_491, %broadcast_in_dim3A_493 : vector<16xi1>, vector<16xf32>
      %add3A_495 = arith.addf %add3A_490, %select_n3A_494 : vector<16xf32>
      %exp3A_496 = math.exp %scan3A_477#3 : vector<16xf32>
      %jit3A_497 = arith.constant 0.000000e+00 : f32
      %broadcast_in_dim3A_498 = vector.broadcast %jit3A_497 : f32 to vector<16xf32>
      %select_n3A_499 = arith.select %lt3A_109, %exp3A_496, %broadcast_in_dim3A_498 : vector<16xi1>, vector<16xf32>
      %add3A_500 = arith.addf %add3A_495, %select_n3A_499 : vector<16xf32>
      %exp3A_501 = math.exp %scan3A_477#4 : vector<16xf32>
      %jit3A_502 = arith.constant 0.000000e+00 : f32
      %broadcast_in_dim3A_503 = vector.broadcast %jit3A_502 : f32 to vector<16xf32>
      %select_n3A_504 = arith.select %lt3A_115, %exp3A_501, %broadcast_in_dim3A_503 : vector<16xi1>, vector<16xf32>
      %add3A_505 = arith.addf %add3A_500, %select_n3A_504 : vector<16xf32>
      %exp3A_506 = math.exp %scan3A_477#5 : vector<16xf32>
      %jit3A_507 = arith.constant 0.000000e+00 : f32
      %broadcast_in_dim3A_508 = vector.broadcast %jit3A_507 : f32 to vector<16xf32>
      %select_n3A_509 = arith.select %lt3A_121, %exp3A_506, %broadcast_in_dim3A_508 : vector<16xi1>, vector<16xf32>
      %add3A_510 = arith.addf %add3A_505, %select_n3A_509 : vector<16xf32>
      %exp3A_511 = math.exp %scan3A_477#6 : vector<16xf32>
      %jit3A_512 = arith.constant 0.000000e+00 : f32
      %broadcast_in_dim3A_513 = vector.broadcast %jit3A_512 : f32 to vector<16xf32>
      %select_n3A_514 = arith.select %lt3A_127, %exp3A_511, %broadcast_in_dim3A_513 : vector<16xi1>, vector<16xf32>
      %add3A_515 = arith.addf %add3A_510, %select_n3A_514 : vector<16xf32>
      %exp3A_516 = math.exp %scan3A_477#7 : vector<16xf32>
      %jit3A_517 = arith.constant 0.000000e+00 : f32
      %broadcast_in_dim3A_518 = vector.broadcast %jit3A_517 : f32 to vector<16xf32>
      %select_n3A_519 = arith.select %lt3A_133, %exp3A_516, %broadcast_in_dim3A_518 : vector<16xi1>, vector<16xf32>
      %add3A_520 = arith.addf %add3A_515, %select_n3A_519 : vector<16xf32>
      %exp3A_521 = math.exp %scan3A_477#8 : vector<16xf32>
      %jit3A_522 = arith.constant 0.000000e+00 : f32
      %broadcast_in_dim3A_523 = vector.broadcast %jit3A_522 : f32 to vector<16xf32>
      %select_n3A_524 = arith.select %lt3A_139, %exp3A_521, %broadcast_in_dim3A_523 : vector<16xi1>, vector<16xf32>
      %add3A_525 = arith.addf %add3A_520, %select_n3A_524 : vector<16xf32>
      %exp3A_526 = math.exp %scan3A_477#9 : vector<16xf32>
      %jit3A_527 = arith.constant 0.000000e+00 : f32
      %broadcast_in_dim3A_528 = vector.broadcast %jit3A_527 : f32 to vector<16xf32>
      %select_n3A_529 = arith.select %lt3A_145, %exp3A_526, %broadcast_in_dim3A_528 : vector<16xi1>, vector<16xf32>
      %add3A_530 = arith.addf %add3A_525, %select_n3A_529 : vector<16xf32>
      %exp3A_531 = math.exp %scan3A_477#10 : vector<16xf32>
      %jit3A_532 = arith.constant 0.000000e+00 : f32
      %broadcast_in_dim3A_533 = vector.broadcast %jit3A_532 : f32 to vector<16xf32>
      %select_n3A_534 = arith.select %lt3A_151, %exp3A_531, %broadcast_in_dim3A_533 : vector<16xi1>, vector<16xf32>
      %add3A_535 = arith.addf %add3A_530, %select_n3A_534 : vector<16xf32>
      %exp3A_536 = math.exp %scan3A_477#11 : vector<16xf32>
      %jit3A_537 = arith.constant 0.000000e+00 : f32
      %broadcast_in_dim3A_538 = vector.broadcast %jit3A_537 : f32 to vector<16xf32>
      %select_n3A_539 = arith.select %lt3A_157, %exp3A_536, %broadcast_in_dim3A_538 : vector<16xi1>, vector<16xf32>
      %add3A_540 = arith.addf %add3A_535, %select_n3A_539 : vector<16xf32>
      %exp3A_541 = math.exp %scan3A_477#12 : vector<16xf32>
      %jit3A_542 = arith.constant 0.000000e+00 : f32
      %broadcast_in_dim3A_543 = vector.broadcast %jit3A_542 : f32 to vector<16xf32>
      %select_n3A_544 = arith.select %lt3A_163, %exp3A_541, %broadcast_in_dim3A_543 : vector<16xi1>, vector<16xf32>
      %add3A_545 = arith.addf %add3A_540, %select_n3A_544 : vector<16xf32>
      %mul3A_546 = arith.constant 16 : i32
      %mul3A_547 = arith.muli %add3A_387, %mul3A_546 : i32
      %swap3A_548 = arith.index_cast %mul3A_547 : i32 to index
      %swap3A_549 = tpu.vector_load %arg17[%swap3A_548] {strides = array<i32>} : memref<2048xf32, #tpu.memory_space<vmem>>, vector<16xf32>,
      tpu.vector_store %arg17[%swap3A_548], %add3A_545 {strides = array<i32>} : memref<2048xf32, #tpu.memory_space<vmem>>, vector<16xf32>,
      %add3A_550 = arith.constant 2 : i32
      %add3A_551 = arith.addi %add3A_387, %add3A_550 : i32
      %lt3A_552 = arith.constant 128 : i32
      %lt3A_553 = arith.cmpi slt, %add3A_551, %lt3A_552 : i32
      %convert_element_type3A_554 = arith.extui %lt3A_553 : i1 to i32
      %cond3A_555 = arith.constant 0 : i32
      %cond3A_556 = arith.cmpi ne, %convert_element_type3A_554, %cond3A_555 : i32
      scf.if %cond3A_556 {
        %add3A_557 = arith.constant 2 : i32
        %add3A_558 = arith.addi %add3A_387, %add3A_557 : i32
        %mul3A_559 = arith.constant 2 : i32
        %mul3A_560 = arith.muli %mul3A_559, %add3A_558 : i32
        %dma_start3A_561 = arith.constant 0 : i32
        %dma_start3A_562 = arith.constant 0 : i32
        %dma_start3A_563 = tpu.memref_slice %arg15[%dma_start3A_561, %dma_start3A_562] : memref<200x64xf32, #tpu.memory_space<vmem>> -> memref<100x64xf32, #tpu.memory_space<vmem>>
        %dma_start3A_564 = arith.constant 0 : i32
        %dma_start3A_565 = tpu.memref_slice %arg11[%mul3A_560, %dma_start3A_564] : memref<256x100xi32, #tpu.memory_space<vmem>> -> memref<1x100xi32, #tpu.memory_space<vmem>>
        %dma_start3A_566 = tpu.memref_squeeze %dma_start3A_565 : memref<1x100xi32, #tpu.memory_space<vmem>> -> memref<100xi32, #tpu.memory_space<vmem>>
        %dma_start3A_567 = arith.constant 0 : i32
        %dma_start3A_568 = arith.constant 0 : i32
        %dma_start3A_569 = tpu.memref_slice %arg6[%dma_start3A_567, %dma_start3A_568] : memref<1000000x64xf32, #tpu.memory_space<hbm>> -> memref<1000000x64xf32, #tpu.memory_space<hbm>>
        tpu.enqueue_indirect_dma source(%dma_start3A_569 : memref<1000000x64xf32, #tpu.memory_space<hbm>>) target(%dma_start3A_563 : memref<100x64xf32, #tpu.memory_space<vmem>>) offsets(%dma_start3A_566 : memref<100xi32, #tpu.memory_space<vmem>>) semaphore(%arg20 : memref<!tpu.dma_semaphore, #tpu.memory_space<semaphore_mem>>)
        %mul3A_570 = arith.constant 2 : i32
        %mul3A_571 = arith.muli %mul3A_570, %add3A_558 : i32
        %add3A_572 = arith.constant 1 : i32
        %add3A_573 = arith.addi %mul3A_571, %add3A_572 : i32
        %dma_start3A_574 = arith.constant 100 : i32
        %dma_start3A_575 = arith.constant 0 : i32
        %dma_start3A_576 = tpu.memref_slice %arg15[%dma_start3A_574, %dma_start3A_575] : memref<200x64xf32, #tpu.memory_space<vmem>> -> memref<100x64xf32, #tpu.memory_space<vmem>>
        %dma_start3A_577 = arith.constant 0 : i32
        %dma_start3A_578 = tpu.memref_slice %arg11[%add3A_573, %dma_start3A_577] : memref<256x100xi32, #tpu.memory_space<vmem>> -> memref<1x100xi32, #tpu.memory_space<vmem>>
        %dma_start3A_579 = tpu.memref_squeeze %dma_start3A_578 : memref<1x100xi32, #tpu.memory_space<vmem>> -> memref<100xi32, #tpu.memory_space<vmem>>
        %dma_start3A_580 = arith.constant 0 : i32
        %dma_start3A_581 = arith.constant 0 : i32
        %dma_start3A_582 = tpu.memref_slice %arg6[%dma_start3A_580, %dma_start3A_581] : memref<1000000x64xf32, #tpu.memory_space<hbm>> -> memref<1000000x64xf32, #tpu.memory_space<hbm>>
        tpu.enqueue_indirect_dma source(%dma_start3A_582 : memref<1000000x64xf32, #tpu.memory_space<hbm>>) target(%dma_start3A_576 : memref<100x64xf32, #tpu.memory_space<vmem>>) offsets(%dma_start3A_579 : memref<100xi32, #tpu.memory_space<vmem>>) semaphore(%arg20 : memref<!tpu.dma_semaphore, #tpu.memory_space<semaphore_mem>>)
      } else {
      }
    }
    %scan3A_213 = arith.constant 64 : i32
    %mul3A_214 = arith.constant 16 : i32
    %mul3A_215 = arith.muli %mul3A_2, %mul3A_214 : i32
    "tpu.region"() ({
      %run_scoped3A = tpu.sem_alloc : memref<!tpu.dma_semaphore, #tpu.memory_space<semaphore_mem>>
      %dma_start3A_218 = tpu.memref_slice %arg7[%mul3A_215] : memref<65536xf32, #tpu.memory_space<hbm>> -> memref<2048xf32, #tpu.memory_space<hbm>>
      %dma_start3A_219 = tpu.memref_slice %arg7[%mul3A_215] : memref<65536xf32, #tpu.memory_space<hbm>> -> memref<2048xf32, #tpu.memory_space<hbm>>
      tpu.enqueue_dma source(%arg16 : memref<2048xf32, #tpu.memory_space<vmem>>) target(%dma_start3A_219 : memref<2048xf32, #tpu.memory_space<hbm>>) target_semaphore(%run_scoped3A : memref<!tpu.dma_semaphore, #tpu.memory_space<semaphore_mem>>)
      %dma_wait3A_220 = tpu.memref_slice %arg7[%mul3A_215] : memref<65536xf32, #tpu.memory_space<hbm>> -> memref<2048xf32, #tpu.memory_space<hbm>>
      %dma_wait3A_221 = tpu.memref_slice %arg7[%mul3A_215] : memref<65536xf32, #tpu.memory_space<hbm>> -> memref<2048xf32, #tpu.memory_space<hbm>>
      tpu.wait_dma2 semaphore(%run_scoped3A : memref<!tpu.dma_semaphore, #tpu.memory_space<semaphore_mem>>) src(%arg16 : memref<2048xf32, #tpu.memory_space<vmem>>) dst(%dma_wait3A_221 : memref<2048xf32, #tpu.memory_space<hbm>>)
      tpu.yield
    }) : () -> ()
    %mul3A_216 = arith.constant 16 : i32
    %mul3A_217 = arith.muli %mul3A_2, %mul3A_216 : i32
    "tpu.region"() ({
      %run_scoped3A = tpu.sem_alloc : memref<!tpu.dma_semaphore, #tpu.memory_space<semaphore_mem>>
      %dma_start3A_218 = tpu.memref_slice %arg8[%mul3A_217] : memref<65536xf32, #tpu.memory_space<hbm>> -> memref<2048xf32, #tpu.memory_space<hbm>>
      %dma_start3A_219 = tpu.memref_slice %arg8[%mul3A_217] : memref<65536xf32, #tpu.memory_space<hbm>> -> memref<2048xf32, #tpu.memory_space<hbm>>
      tpu.enqueue_dma source(%arg17 : memref<2048xf32, #tpu.memory_space<vmem>>) target(%dma_start3A_219 : memref<2048xf32, #tpu.memory_space<hbm>>) target_semaphore(%run_scoped3A : memref<!tpu.dma_semaphore, #tpu.memory_space<semaphore_mem>>)
      %dma_wait3A_220 = tpu.memref_slice %arg8[%mul3A_217] : memref<65536xf32, #tpu.memory_space<hbm>> -> memref<2048xf32, #tpu.memory_space<hbm>>
      %dma_wait3A_221 = tpu.memref_slice %arg8[%mul3A_217] : memref<65536xf32, #tpu.memory_space<hbm>> -> memref<2048xf32, #tpu.memory_space<hbm>>
      tpu.wait_dma2 semaphore(%run_scoped3A : memref<!tpu.dma_semaphore, #tpu.memory_space<semaphore_mem>>) src(%arg17 : memref<2048xf32, #tpu.memory_space<vmem>>) dst(%dma_wait3A_221 : memref<2048xf32, #tpu.memory_space<hbm>>)
      tpu.yield
    }) : () -> ()
    return
  }
}

module attributes {stable_mosaic.version = 14 : i64} {
  func.func @body(%arg0: memref<4096x16xf32, #tpu.memory_space<vmem>>, %arg1: memref<4096x16xf32, #tpu.memory_space<vmem>>, %arg2: memref<1x1xf32, #tpu.memory_space<vmem>>) attributes {dimension_semantics = [], scalar_prefetch = 0 : i64, scratch_operands = 0 : i64, tpu.core_type = #tpu.core_type<tc>} {
    %get3A = arith.constant 0 : index
    %get3A_0 = arith.constant 0 : index
    %get3A_1 = vector.load %arg0[%get3A, %get3A_0] : memref<4096x16xf32, #tpu.memory_space<vmem>>, vector<4096x16xf32>
    %reduce_sum3A = vector.shape_cast %get3A_1 : vector<4096x16xf32> to vector<1x4096x16xf32>
    %reduce_sum3A_2 = arith.constant dense<0.000000e+00> : vector<1xf32>
    %reduce_sum3A_3 = vector.multi_reduction <add>, %reduce_sum3A, %reduce_sum3A_2 [1, 2] : vector<1x4096x16xf32> to vector<1xf32>
    %reduce_sum3A_4 = vector.shape_cast %reduce_sum3A_3 : vector<1xf32> to vector<1x1x1xf32>
    %reduce_sum3A_5 = vector.extract %reduce_sum3A_4[0, 0, 0] : f32 from vector<1x1x1xf32>
    %get3A_6 = arith.constant 0 : index
    %get3A_7 = arith.constant 0 : index
    %get3A_8 = vector.load %arg1[%get3A_6, %get3A_7] : memref<4096x16xf32, #tpu.memory_space<vmem>>, vector<4096x16xf32>
    %reduce_sum3A_9 = arith.constant dense<0.000000e+00> : vector<4096xf32>
    %reduce_sum3A_10 = vector.multi_reduction <add>, %get3A_8, %reduce_sum3A_9 [1] : vector<4096x16xf32> to vector<4096xf32>
    %log3A = math.log %reduce_sum3A_10 : vector<4096xf32>
    %reduce_sum3A_11 = vector.shape_cast %log3A : vector<4096xf32> to vector<1x4096xf32>
    %reduce_sum3A_12 = arith.constant dense<0.000000e+00> : vector<1xf32>
    %reduce_sum3A_13 = vector.multi_reduction <add>, %reduce_sum3A_11, %reduce_sum3A_12 [1] : vector<1x4096xf32> to vector<1xf32>
    %reduce_sum3A_14 = vector.shape_cast %reduce_sum3A_13 : vector<1xf32> to vector<1x1xf32>
    %reduce_sum3A_15 = vector.extract %reduce_sum3A_14[0, 0] : f32 from vector<1x1xf32>
    %sub3A = arith.subf %reduce_sum3A_5, %reduce_sum3A_15 : f32
    %neg3A = arith.constant 0.000000e+00 : f32
    %neg3A_16 = arith.subf %neg3A, %sub3A : f32
    %div3A = arith.constant 4.096000e+03 : f32
    %div3A_17 = arith.divf %neg3A_16, %div3A : f32
    %reshape3A = vector.broadcast %div3A_17 : f32 to vector<1x1xf32>
    %swap3A = arith.constant 0 : index
    %swap3A_18 = arith.constant 0 : index
    %swap3A_19 = vector.load %arg2[%swap3A, %swap3A_18] : memref<1x1xf32, #tpu.memory_space<vmem>>, vector<1x1xf32>
    tpu.vector_store %arg2[%swap3A, %swap3A_18], %reshape3A {strides = array<i32>} : memref<1x1xf32, #tpu.memory_space<vmem>>, vector<1x1xf32>,
    return
  }
}

</mosaic_0001>

<sc_bundles>
// kernel: kernel.4.cloned.1.call-start
scs
__scs_entry_jumppad:
0x0: {  	(pc) =	sbr.rel $0x88, $3  }
0x1: {  	(tag) =	ssettag $0x0;
	lr =	simm.s32 $0x1  }
0x2: {  	[smem:$0x3F9C] =	sst lr;
	_ =	strace $0xD0000000  }
0x3: {  	_ = 	snop  }
0x4: {  	_ = 	snop  }
0x5: {  	_ = 	snop  }
0x6: {  	_ = 	snop  }
0x7: {  	_ = 	snop  }
__scs_overlays_trampoline_lowered:
0x8: {  	[smem:$0x3FAB] =	sst s0  }
0x9: {  	[smem:$0x3FAC] =	sst s1  }
0xa: {  	[smem:$0x3FAD] =	sst s2  }
0xb: {  	[smem:$0x3FAE] =	sst s3  }
0xc: {  	[smem:$0x3FAF] =	sst s4  }
0xd: {  	[smem:$0x3FB0] =	sst s5  }
0xe: {  	[smem:$0x3FB1] =	sst s6  }
0xf: {  	[smem:$0x3FB2] =	sst s7  }
0x10: {  	[smem:$0x3FB3] =	sst s8  }
0x11: {  	[smem:$0x3FB4] =	sst s9;
	s0 =	simm.s32 @!p0 $0x0  }
0x12: {  	s1 =	sld [smem:$0x3F9A];
	s0 =	simm.s32 @p0 $0x1  }
0x13: {  	[smem:$0x3FB5] =	sst s0;
	s0 =	simm.s32 @!p1 $0x0  }
0x14: {  	s2 =	sld [smem:$0x3F99];
	s0 =	simm.s32 @p1 $0x1  }
0x15: {  	[smem:$0x3FB6] =	sst s0;
	s0 =	simm.s32 @!p2 $0x0  }
0x16: {  	s3 =	sld [smem:$0x3FDB];
	s0 =	simm.s32 @p2 $0x1  }
0x17: {  	s4 =	simm.s32 $0x1BF5;
	[smem:$0x3FB8] =	sst s0  }
0x18: {  	s0 =	sld [smem:$0x3F9B];
	_ =	swait.ge [sflag:s4], $0x0  }
0x19: {  	s7 =	sld [smem:$0x3F9C]  }
0x1a: {  	s8 =	sadd.s32 $0xFFFFE003, lr  }
0x1b: {  	s9 =	sadd.s32 $0xFFFFFEF7, lr;
	s5 =	simm.s32 $0xFFFFFFFF;
	p2 =	slt.u32 s8, $0xFFFFF086  }
0x1c: {  	p1 =	slt.u32 s9, $0xF7A;
	s5 =	simm.s32 @!p2 $0x0  }
0x1d: {  	s5 =	simm.s32 @p1 $0x1;
	p0 =	seq.s32 s7, s2  }
0x1e: {  	s7 =	smul.u32 @!p0 $0xF7A, s2;
	p2 =	seq.s32 @!p0 s5, $0x0  }
0x1f: {  	s9 =	smul.u32 $0xF7A, s1;
	s8 =	simm.s32 @!p0 $0x1BF5;
	p2 =	por !p2, p0  }
0x20: {  	[sflag:s8] =	ssyncset.s32 @!p0 $0xFFFFF086;
	s6 =	sadd.s32 @!p0 s3, s7;
	s7 =	simm.s32 @!p0 $0x108  }
0x21: {  	s3 =	sadd.s32 s3, s9;
	s6 =	sadd.s32 @!p0 $0x88, s6;
	s7 =	simm.s32 @p2 $0x1082  }
0x22: {  	[simem:s7], [sflag:s8] =	dma.local @!p0 [hbm:s6], $0xF7A  }
0x23: {  	s9 =	sor.u32 $0xD0000000, s2;
	s6 =	simm.s32 $0x108;
	_ =	swait.ge @!p0 [sflag:s8], $0x0  }
0x24: {  	s3 =	sadd.s32 $0x88, s3;
	s6 =	simm.s32 @!p1 $0x1082;
	[sflag:s4] =	ssyncset.s32 $0xFFFFF086  }
0x25: {  	[simem:s6], [sflag:s4] =	dma.local [hbm:s3], $0xF7A  }
0x26: {  	[smem:$0x3F9C] =	sst s1;
	(tag) =	ssettag s2;
	_ =	strace s9  }
0x27: {  	s1 =	sld [smem:$0x3FAC]  }
0x28: {  	s2 =	sld [smem:$0x3FAD]  }
0x29: {  	s4 =	sld [smem:$0x3FAF]  }
0x2a: {  	p0 =	seq.s32 s5, $0x0;
	s5 =	sld [smem:$0x3FB0]  }
0x2b: {  	s6 =	sld [smem:$0x3FB1]  }
0x2c: {  	s7 =	sld [smem:$0x3FB2]  }
0x2d: {  	s3 =	simm.s32 $0x108;
	s8 =	sld [smem:$0x3FB3]  }
0x2e: {  	s3 =	simm.s32 @!p0 $0x1082;
	s9 =	sld [smem:$0x3FB4]  }
0x2f: {  	lr =	sadd.s32 s0, s3;
	s0 =	sld [smem:$0x3FAB]  }
0x30: {  	s3 =	sld [smem:$0x3FAE]  }
0x31: {  	[smem:$0x3FB7] =	sst s10  }
0x32: {  	s10 =	sld [smem:$0x3FB5];
	_ =	sdelay $0x3  }
0x33: {  	p0 =	seq.s32 s10, $0x1;
	s10 =	sld [smem:$0x3FB7];
	_ =	sdelay $0x3  }
0x34: {  	[smem:$0x3FB7] =	sst s10  }
0x35: {  	s10 =	sld [smem:$0x3FB6];
	_ =	sdelay $0x3  }
0x36: {  	p1 =	seq.s32 s10, $0x1;
	s10 =	sld [smem:$0x3FB7];
	_ =	sdelay $0x3  }
0x37: {  	[smem:$0x3FB7] =	sst s10  }
0x38: {  	s10 =	sld [smem:$0x3FB8]  }
0x39: {  	_ = 	snop;
	(pc) =	sbr.ind lr, $3  }
0x3a: {  	_ = 	snop  }
0x3b: {  	_ = 	snop  }
0x3c: {  	p2 =	seq.s32 s10, $0x1;
	s10 =	sld [smem:$0x3FB7]  }
0x3d: {  	_ =	shalt  }
0x3e: {  	_ =	shalt  }
0x3f: {  	_ =	shalt  }
0x40: {  	_ =	shalt  }
0x41: {  	_ =	shalt  }
0x42: {  	_ =	shalt  }
0x43: {  	_ =	shalt  }
0x44: {  	_ =	shalt  }
0x45: {  	_ =	shalt  }
0x46: {  	_ =	shalt  }
0x47: {  	_ =	shalt  }
0x48: {  	_ =	shalt  }
0x49: {  	_ =	shalt  }
0x4a: {  	_ =	shalt  }
0x4b: {  	_ =	shalt  }
0x4c: {  	_ =	shalt  }
0x4d: {  	_ =	shalt  }
0x4e: {  	_ =	shalt  }
0x4f: {  	_ =	shalt  }
0x50: {  	_ =	shalt  }
0x51: {  	_ =	shalt  }
0x52: {  	_ =	shalt  }
0x53: {  	_ =	shalt  }
0x54: {  	_ =	shalt  }
0x55: {  	_ =	shalt  }
0x56: {  	_ =	shalt  }
0x57: {  	_ =	shalt  }
0x58: {  	_ =	shalt  }
0x59: {  	_ =	shalt  }
0x5a: {  	_ =	shalt  }
0x5b: {  	_ =	shalt  }
0x5c: {  	_ =	shalt  }
0x5d: {  	_ =	shalt  }
0x5e: {  	_ =	shalt  }
0x5f: {  	_ =	shalt  }
0x60: {  	_ =	shalt  }
0x61: {  	_ =	shalt  }
0x62: {  	_ =	shalt  }
0x63: {  	_ =	shalt  }
0x64: {  	_ =	shalt  }
0x65: {  	_ =	shalt  }
0x66: {  	_ =	shalt  }
0x67: {  	_ =	shalt  }
0x68: {  	_ =	shalt  }
0x69: {  	_ =	shalt  }
0x6a: {  	_ =	shalt  }
0x6b: {  	_ =	shalt  }
0x6c: {  	_ =	shalt  }
0x6d: {  	_ =	shalt  }
0x6e: {  	_ =	shalt  }
0x6f: {  	_ =	shalt  }
0x70: {  	_ =	shalt  }
0x71: {  	_ =	shalt  }
0x72: {  	_ =	shalt  }
0x73: {  	_ =	shalt  }
0x74: {  	_ =	shalt  }
0x75: {  	_ =	shalt  }
0x76: {  	_ =	shalt  }
0x77: {  	_ =	shalt  }
0x78: {  	_ =	shalt  }
0x79: {  	_ =	shalt  }
0x7a: {  	_ =	shalt  }
0x7b: {  	_ =	shalt  }
0x7c: {  	_ =	shalt  }
0x7d: {  	_ =	shalt  }
0x7e: {  	_ =	shalt  }
0x7f: {  	_ =	shalt  }
0x80: {  	_ =	shalt  }
0x81: {  	_ =	shalt  }
0x82: {  	_ =	shalt  }
0x83: {  	_ =	shalt  }
0x84: {  	_ =	shalt  }
0x85: {  	_ =	shalt  }
0x86: {  	_ =	shalt  }
0x87: {  	_ =	shalt  }
.Lfunc_end0:
.L_simem_size_0:
called_computation_lowered:
.L_overlay_start_0:
0x88: {  	s2 =	sld [smem:$0x3FD9]  }
0x89: {  	s3 =	sld [smem:$0x3FFE];
	_ =	sdelay $0x1  }
0x8a: {  	s1 =	srdreg.scid  }
0x8b: {  	s0 =	sand.u32 $0x1, s1  }
0x8c: {  	s17 =	sshll.u32 s0, $0xA;
	s2 =	sadd.s32 s3, s2  }
0x8d: {  	s2 =	sadd.s32 s2, s17  }
0x8e: {  	[smem:$0x3FC3] =	sst s2  }
0x8f: {  	_ = 	snop  }
0x90: {  	s2 =	sld [smem:$0x3FC9]  }
0x91: {  	s18 =	sld [smem:$0x3FC8];
	(tm) =	ssettm $0x1  }
0x92: {  	s4 =	sld [smem:$0x3FFB];
	_ =	sdelay $0x3  }
0x93: {  	_ =	strace s4  }
0x94: {  	s4 =	sld [smem:$0x3FFC];
	_ =	sdelay $0x3  }
0x95: {  	_ =	strace s4  }
0x96: {  	s4 =	sld [smem:$0x3FFD];
	_ =	sdelay $0x3  }
0x97: {  	_ =	strace s4  }
0x98: {  	_ =	strace $0x8FFFFFFF  }
0x99: {  	s19 =	sld [smem:$0x3FDB];
	_ =	sdelay $0x1  }
0x9a: {  	s5 =	simm.s32 $_scs_section_size  }
0x9b: {  	s6 =	simm.s32 $_size__tile_overlayer_lowered;
	s7 =	simm.s32 $_tile_overlayer_lowered  }
0x9c: {  	s22 =	simm.s32 $0x1BFF;
	s21 =	sshll.u32 s7, $0x1;
	s4 =	sadd.s32 s5, s19  }
0x9d: {  	s8 =	simm.s32 $0x0;
	s20 =	sshll.u32 s6, $0x1;
	s6 =	sadd.s32 s21, s4  }
0x9e: {  	[timem:s8], [sflag:s22] =	dma.local [hbm:s6], s20  }
0x9f: {  	_ =	swait.ge [sflag:s22], s20  }
0xa0: {  	s5 =	ssub.s32 $0x0, s20;
	[sflag:s22] =	ssyncset.done $0x0  }
0xa1: {  	[sflag:s22] =	ssyncadd.s32 s5;
	_ =	sdelay $0x1  }
0xa2: {  	s23 =	simm.s32 $0x1B8B  }
0xa3: {  	_ =	swait.ge [sflag:s23], $0x1  }
0xa4: {  	[sflag:s23] =	ssyncset.done $0x0  }
0xa5: {  	s25 =	simm.s32 $0x1B8E;
	s24 =	sld [smem:$0x3FFE];
	[sflag:s23] =	ssyncadd.s32 $0xFFFFFFFF  }
0xa6: {  	s26 =	simm.s32 $execute0_lowered;
	[smem:$0x3FD2] =	sst s25  }
0xa7: {  	s6 =	sshll.u32 s26, $0x1;
	_ =	strace $0x80000046;
	[dreg:$0x1] =	wrdreg $0xFFFFFFFF  }
0xa8: {  	s28 =	simm.s32 $_size_execute0_lowered;
	s4 =	sadd.s32 s4, s6;
	[dreg:$0x0] =	wrdreg $0x0  }
0xa9: {  	s6 =	sshll.u32 s28, $0x1;
	[dreg:$0x2] =	wrdreg s4  }
0xaa: {  	[dreg:$0x3] =	wrdreg s6  }
0xab: {  	[dreg:$0x4] =	wrdreg $0xC0  }
0xac: {  	_ =	task [dreg:s8], $0x5FFFF  }
0xad: {  	[dreg:$0x1] =	wrdreg $0xFFFFFFFF  }
0xae: {  	[dreg:$0x0] =	wrdreg $0x60  }
0xaf: {  	[dreg:$0x2] =	wrdreg s2  }
0xb0: {  	[dreg:$0x3] =	wrdreg s18  }
0xb1: {  	[dreg:$0x4] =	wrdreg s24  }
0xb2: {  	[dreg:$0x5] =	wrdreg $0x9  }
0xb3: {  	_ =	task.clear_ibuf [dreg:s8], $0x6FFFF;
	_ =	strace $0x90000046  }
0xb4: {  	s29 =	simm.s32 $0x9;
	_ =	strace $0x80000048  }
0xb5: {  	_ =	swait.ge [sflag:s29], $0x1  }
0xb6: {  	[sflag:s29] =	ssyncadd.s32 $0xFFFFFFFF  }
0xb7: {  	_ =	strace $0x90000048  }
0xb8: {  	_ =	sfence  }
0xb9: {  	s30 =	sld [smem:$0x0];
	_ =	sdelay $0x2  }
0xba: {  	s31 =	sshll.u32 s1, $0xD;
	s1 =	sshrl.u32 s1, $0x2  }
0xbb: {  	s3 =	sand.u32 $0x4000, s31;
	s1 =	sadd.s32 s1, s30  }
0xbc: {  	s0 =	sor.u32 s3, s0;
	s1 =	sshll.u32 s1, $0x11  }
0xbd: {  	s0 =	sor.u32 s1, s0  }
0xbe: {  	s0 =	sadd.s32 $0x8F2B, s0  }
0xbf: {  	[sflag:s0] =	ssyncadd.remote.s32 $0x1  }
0xc0: {  	_ =	sfence.sel $0xFFFF  }
0xc1: {  	[dreg:$0x0] =	wrdreg $0xFFFFFFFF;
	(pc) =	sbr.abs _section_cstart, $3  }
0xc2: {  	[dreg:$0x1] =	wrdreg $0xFFFFFFFF  }
0xc3: {  	_ =	task.clear_ibuf [dreg:s8], $0x2FFFF;
	_ =	strace $0x9FFFFFFF  }
0xc4: {  	(tm) =	ssettm $0x7FFFFFFF  }
0xc5: {  	_ =	shalt  }
tec
execute0_lowered:
.L_overlay_start_1:
0x0: {  	(tag) =	ssettag $0x1  }
0x1: {  	s0 =	rddreg [dreg:$0x0]  }
0x2: {  	s1 =	srdreg.scid;
	s6 =	rddreg [dreg:$0x1]  }
0x3: {  	s2 =	stileid.u32;
	s5 =	rddreg [dreg:$0x2]  }
0x4: {  	s11 =	simm.s32 $0x4;
	s12 =	simm.s32 $0x80;
	s13 =	simm.s32 $0x100  }
0x5: {  	s14 =	simm.s32 $0x6900;
	s16 =	simm.s32 $0x1;
	s17 =	simm.s32 $0x64  }
0x6: {  	s18 =	simm.s32 $0xA900;
	s21 =	simm.s32 $0x1D0;
	s22 =	simm.s32 $0xDB00  }
0x7: {  	v0 =	vlaneseq.u32;
	v6 =	vimm.s32 $0x31C0;
	vm0 =	vcmask $0x300;
	s23 =	simm.s32 $0x238;
	s24 =	simm.s32 $0xF400;
	s25 =	simm.s32 $0x2  }
0x8: {  	s26 =	simm.s32 $0x3;
	s28 =	simm.s32 $0x10D00;
	s29 =	simm.s32 $0x11500;
	v0 =	vmul.u32 $0x40, v0;
	v7 =	vsel vm0, $0x3000, v6;
	vm0 =	vcmask $0x704  }
0x9: {  	s30 =	simm.s32 $0x0;
	s1 =	sand.u32 $0x1, s1;
	s2 =	sshll.u32 s2, $0x1;
	v8 =	vsel vm0, $0x3040, v7;
	vm0 =	vcmask $0xB08  }
0xa: {  	s4 =	sadd.s32 $0xF42E00, s5;
	s7 =	sor.u32 s1, s2;
	s2 =	simm.s32 $0x0;
	v1 =	vor.u32 $0x400, v0;
	v2 =	vor.u32 $0x800, v0;
	v3 =	vor.u32 $0xC00, v0  }
0xb: {  	s1 =	ssub.s32 $0x2, s1;
	s3 =	smul.u32 $0xD00, s7;
	[smem:$0x7FF] =	sst s2;
	v4 =	vor.u32 $0x1000, v0;
	v5 =	vor.u32 $0x1400, v0;
	v6 =	vor.u32 $0x1800, v0  }
.Ltmp0:
0xc: {  	s9 =	sshll.u32 s7, $0x8;
	s10 =	sshrl.u32 s1, $0x1;
	v7 =	vor.u32 $0x1C00, v0;
	v9 =	vsel vm0, $0x3080, v8;
	vm0 =	vcmask $0xF0C;
	(pc) =	sbr.rel .LBB2_1-.Ltmp0, $4  }
0xd: {  	s7 =	sshll.u32 s7, $0x4;
	v8 =	vor.u32 $0x2000, v0;
	_ =	strace $0x80000047;
	s9 =	sadd.s32 s9, s5;
	v10 =	vsel vm0, $0x30C0, v9;
	vm0 =	vcmask $0x1310  }
0xe: {  	s1 =	ssub.s32 s1, s10;
	s6 =	sadd.s32 s6, s7;
	v9 =	vor.u32 $0x2400, v0;
	s8 =	sadd.s32 s3, s5;
	v11 =	vsel vm0, $0x3100, v10;
	vm0 =	vcmask $0x1714  }
0xf: {  	s3 =	sadd.s32 $0x16E4000, s5;
	s5 =	sadd.s32 s0, s7;
	s10 =	smax.u32 s1, $0x1;
	v10 =	vor.u32 $0x2800, v0;
	v12 =	vsel vm0, $0x3140, v11;
	vm0 =	vcmask $0x1B18  }
0x10: {  	s7 =	sadd.s32 $0xA00, s8;
	s8 =	sadd.s32 $0x1AA00, s9;
	s9 =	sadd.s32 $0x1CA00, s9;
	v11 =	vor.u32 $0x2C00, v0;
	v12 =	vsel vm0, $0x3180, v12;
	vm0 =	vmmov $0xff  }
.LBB2_8:
0x11: {  	[hbm4b:s8+s2] =	stream.linear.scatter [tilespmem:s28], [sflag:$0x4], $0x800, $0x38;
	[tilespmem:$0x11D00] =	vst v63  }
0x12: {  	s30 =	sadd.s32 $0x1, s30;
	_ =	swait.ge [sflag:s11], $0x800  }
0x13: {  	p0 =	sne.s32 s30, s10;
	[sflag:s11] =	ssyncset.done $0x0  }
.Ltmp1:
0x14: {  	[sflag:s11] =	ssyncadd.s32 $0xFFFFF800;
	(pc) =	sbr.rel @!p0 .LBB2_9-.Ltmp1, $4  }
0x15: {  	[hbm4b:s9+s2] =	stream.linear.scatter [tilespmem:s29], [sflag:$0x4], $0x800, $0x38;
	[tilespmem:$0x11D00] =	vst v63  }
0x16: {  	_ =	swait.ge [sflag:s11], $0x800  }
0x17: {  	[sflag:s11] =	ssyncset.done $0x0  }
0x18: {  	[sflag:s11] =	ssyncadd.s32 $0xFFFFF800  }
.LBB2_1:
0x19: {  	[tilespmem:s2], [sflag:$0x4] =	stream.linear.gather [hbm4b:s5+s2], $0x80, $0x38;
	[tilespmem:$0x11D00] =	vst v63  }
0x1a: {  	_ =	swait.ge [sflag:s11], $0x80  }
0x1b: {  	[sflag:s11] =	ssyncset.done $0x0  }
0x1c: {  	[sflag:s11] =	ssyncadd.s32 $0xFFFFFF80  }
0x1d: {  	[tilespmem:s12], [sflag:$0x4] =	stream.linear.gather [hbm4b:s6+s2], $0x80, $0x38;
	[tilespmem:$0x11D00] =	vst v63  }
0x1e: {  	_ =	swait.ge [sflag:s11], $0x80  }
0x1f: {  	[sflag:s11] =	ssyncset.done $0x0  }
0x20: {  	[sflag:s11] =	ssyncadd.s32 $0xFFFFFF80  }
0x21: {  	[tilespmem:s13], [sflag:$0x4] =	stream.linear.gather [hbm4b:s7+s2], $0x6800, $0x38;
	[tilespmem:$0x11D00] =	vst v63  }
0x22: {  	_ =	swait.ge [sflag:s11], $0x6800  }
0x23: {  	[sflag:s11] =	ssyncset.done $0x0  }
0x24: {  	[sflag:s11] =	ssyncadd.s32 $0xFFFF9800  }
0x25: {  	[tilespmem:s14], [sflag:$0x1] =	stream.indirect.gather [hbm4b:s3+s12], $0x40, s2, s12, $0xb8;
	[tilespmem:$0x11D00] =	vst v63  }
0x26: {  	s0 =	simm.s32 $0x8900  }
0x27: {  	[tilespmem:s0], [sflag:$0x1] =	stream.indirect.gather [hbm4b:s4+s12], $0x40, s12, s12, $0xb8;
	[tilespmem:$0x11D00] =	vst v63  }
0x28: {  	_ =	swait.ge [sflag:s16], $0x2000  }
0x29: {  	[sflag:s16] =	ssyncset.done $0x0  }
0x2a: {  	[sflag:s16] =	ssyncadd.s32 $0xFFFFE000  }
0x2b: {  	_ =	swait.ge [sflag:s16], $0x2000  }
0x2c: {  	[sflag:s16] =	ssyncset.done $0x0  }
0x2d: {  	[sflag:s16] =	ssyncadd.s32 $0xFFFFE000  }
0x2e: {  	[tilespmem:s18], [sflag:$0x2] =	stream.indirect.gather [hbm4b:s4+s17], $0x40, s13, s17, $0xb8;
	[tilespmem:$0x11D00] =	vst v63  }
0x2f: {  	s20 =	simm.s32 $0x168;
	s1 =	simm.s32 $0xC200  }
0x30: {  	[tilespmem:s1], [sflag:$0x2] =	stream.indirect.gather [hbm4b:s4+s17], $0x40, s20, s17, $0xb8;
	[tilespmem:$0x11D00] =	vst v63  }
0x31: {  	_ = 	snop  }
0x32: {  	[tilespmem:s22], [sflag:$0x3] =	stream.indirect.gather [hbm4b:s4+s17], $0x40, s21, s17, $0xb8;
	[tilespmem:$0x11D00] =	vst v63  }
0x33: {  	s31 =	simm.s32 $0x0  }
0x34: {  	[tilespmem:s24], [sflag:$0x3] =	stream.indirect.gather [hbm4b:s4+s17], $0x40, s23, s17, $0xb8;
	[tilespmem:$0x11D00] =	vst v63  }
.LBB2_2:
0x35: {  	_ =	swait.ge [sflag:s25], $0x1900  }
0x36: {  	[sflag:s25] =	ssyncset.done $0x0  }
0x37: {  	[sflag:s25] =	ssyncadd.s32 $0xFFFFE700  }
0x38: {  	_ =	swait.ge [sflag:s25], $0x1900  }
0x39: {  	[sflag:s25] =	ssyncset.done $0x0  }
0x3a: {  	s0 =	sshll.u32 s31, $0x7;
	[sflag:s25] =	ssyncadd.s32 $0xFFFFE700  }
0x3b: {  	v13 =	vld [tilespmem:s0+$0x6900]  }
0x3c: {  	v14 =	vld [tilespmem:s0+$0x8900]  }
0x3d: {  	v15 =	vld [tilespmem:s0+$0x6910]  }
0x3e: {  	v16 =	vld [tilespmem:s0+$0x8910]  }
0x3f: {  	v17 =	vld [tilespmem:s0+$0x6920]  }
0x40: {  	v18 =	vld [tilespmem:s0+$0x8920]  }
0x41: {  	v19 =	vld [tilespmem:s0+$0x6930]  }
0x42: {  	s1 =	simm.s32 $0x0;
	v20 =	vld [tilespmem:s0+$0x8930]  }
0x43: {  	v13 =	vmul.f32 v14, v13;
	v14 =	vmul.f32 v16, v15;
	v16 =	vmov s1  }
0x44: {  	v15 =	vmov s0;
	v16 =	vand.u32 $0x3F, v16  }
0x45: {  	v13 =	vadd.f32 v14, v13;
	v14 =	vmul.f32 v18, v17;
	v17 =	vor.u32 v15, v16  }
0x46: {  	v16 =	vbroadcast v16, $0x0;
	v17 =	vbroadcast v17, $0x0  }
0x47: {  	v13 =	vadd.f32 v14, v13;
	v14 =	vmul.f32 v20, v19  }
0x48: {  	v18 =	vor.u32 v12, v16  }
0x49: {  	v21 =	vor.u32 v3, v16;
	v13 =	vadd.f32 v14, v13  }
0x4a: {  	s1 =	sshll.u32 s31, $0x5;
	v22 =	vor.u32 v4, v16  }
0x4b: {  	v24 =	vor.u32 v6, v16;
	[tilespmem:s1+$0x10D00] =	vst v13  }
0x4c: {  	v29 =	vor.u32 v9, v16;
	v17 =	vld.idx.msk [tilespmem:v17+s14+$0x0], $0xffff  }
0x4d: {  	v30 =	vor.u32 v10, v16;
	v18 =	vld.idx.msk [tilespmem:v18+s18+$0x0], $0xffff  }
0x4e: {  	v14 =	vor.u32 v0, v16;
	v21 =	vld.idx.msk [tilespmem:v21+s18+$0x0], $0xffff  }
0x4f: {  	v13 =	vor.u32 v2, v16;
	v31 =	vld.idx.msk [tilespmem:v22+s18+$0x0], $0xffff  }
0x50: {  	v19 =	vor.u32 v1, v16;
	v24 =	vld.idx.msk [tilespmem:v24+s18+$0x0], $0xffff  }
0x51: {  	v39 =	vld.idx.msk [tilespmem:v29+s18+$0x0], $0xffff  }
0x52: {  	v44 =	vld.idx.msk [tilespmem:v30+s18+$0x0], $0xffff  }
0x53: {  	s19 =	simm.s32 $0x1;
	v23 =	vor.u32 v5, v16;
	v14 =	vld.idx.msk [tilespmem:v14+s18+$0x0], $0xffff  }
0x54: {  	v25 =	vor.u32 v7, v16;
	v28 =	vor.u32 v8, v16;
	v26 =	vld.idx.msk [tilespmem:v13+s18+$0x0], $0xffff;
	v13 =	vmov s19  }
0x55: {  	v16 =	vor.u32 v11, v16;
	v19 =	vld.idx.msk [tilespmem:v19+s18+$0x0], $0xffff;
	v13 =	vand.u32 $0x3F, v13;
	v18 =	vmul.f32 v18, v17  }
0x56: {  	v21 =	vmul.f32 v21, v17;
	v31 =	vmul.f32 v31, v17;
	v22 =	vor.u32 v15, v13  }
0x57: {  	v35 =	vbroadcast v13, $0x0;
	v22 =	vbroadcast v22, $0x0  }
0x58: {  	v20 =	vimm.f32 $0.0e+00;
	v63 =	vmul.f32 v24, v17;
	v48 =	vmul.f32 v39, v17  }
0x59: {  	v23 =	vld.idx.msk [tilespmem:v23+s18+$0x0], $0xffff;
	v44 =	vmul.f32 v44, v17;
	v14 =	vmul.f32 v14, v17;
	v37 =	vor.u32 v12, v35  }
0x5a: {  	v16 =	vld.idx.msk [tilespmem:v16+s18+$0x0], $0xffff;
	v13 =	vadd.f32 v18, v20;
	v18 =	vmul.f32 v19, v17;
	v41 =	vor.u32 v2, v35  }
0x5b: {  	v24 =	vadd.f32 v31, v20;
	v19 =	vmul.f32 v26, v17;
	v26 =	vld.idx.msk [tilespmem:v28+s18+$0x0], $0xffff;
	v28 =	vor.u32 v0, v35  }
0x5c: {  	v36 =	vld.idx.msk [tilespmem:v25+s18+$0x0], $0xffff;
	v38 =	vor.u32 v1, v35;
	v42 =	vor.u32 v3, v35;
	v43 =	vor.u32 v4, v35  }
0x5d: {  	v45 =	vor.u32 v5, v35;
	v34 =	vor.u32 v6, v35;
	v27 =	vadd.f32 v14, v20;
	v14 =	vld.idx.msk [tilespmem:v22+s14+$0x0], $0xffff  }
0x5e: {  	v33 =	vor.u32 v7, v35;
	v30 =	vadd.f32 v18, v20;
	v18 =	vmul.f32 v23, v17;
	v46 =	vld.idx.msk [tilespmem:v37+s18+$0x0], $0xffff  }
0x5f: {  	v32 =	vor.u32 v8, v35;
	v29 =	vor.u32 v9, v35;
	v25 =	vor.u32 v10, v35;
	v39 =	vld.idx.msk [tilespmem:v41+s18+$0x0], $0xffff  }
0x60: {  	s20 =	simm.s32 $0x2;
	v23 =	vadd.f32 v18, v20;
	v22 =	vor.u32 v11, v35;
	v41 =	vmul.f32 v16, v17;
	v40 =	vld.idx.msk [tilespmem:v28+s18+$0x0], $0xffff  }
0x61: {  	v38 =	vld.idx.msk [tilespmem:v38+s18+$0x0], $0xffff;
	v16 =	vmov s20;
	v28 =	vadd.f32 v19, v20;
	v19 =	vmul.f32 v36, v17  }
0x62: {  	v35 =	vld.idx.msk [tilespmem:v42+s18+$0x0], $0xffff;
	v47 =	vmul.f32 v26, v17;
	v26 =	vadd.f32 v21, v20;
	v21 =	vadd.f32 v63, v20  }
0x63: {  	v37 =	vld.idx.msk [tilespmem:v45+s18+$0x0], $0xffff;
	v17 =	vadd.f32 v48, v20;
	v42 =	vand.u32 $0x3F, v16;
	v16 =	vadd.f32 v44, v20  }
0x64: {  	s15 =	simm.s32 $0x3;
	s0 =	sshll.u32 s31, $0x1;
	v36 =	vld.idx.msk [tilespmem:v43+s18+$0x0], $0xffff;
	v19 =	vadd.f32 v19, v20;
	v18 =	vadd.f32 v47, v20;
	v31 =	vmul.f32 v46, v14  }
.LBB2_3:
0x65: {  	p0 =	sne.s32 s15, $0x3F;
	v43 =	vor.u32 v15, v42;
	v40 =	vmul.f32 v40, v14;
	v44 =	vld.idx.msk [tilespmem:v34+s18+$0x0], $0xffff;
	v20 =	vadd.f32 v41, v20  }
0x66: {  	v41 =	vbroadcast v42, $0x0;
	v42 =	vbroadcast v43, $0x0;
	v43 =	vld.idx.msk [tilespmem:v33+s18+$0x0], $0xffff;
	v13 =	vadd.f32 v31, v13  }
0x67: {  	v31 =	vmul.f32 v38, v14;
	v38 =	vmul.f32 v39, v14;
	v27 =	vadd.f32 v40, v27;
	v39 =	vld.idx.msk [tilespmem:v32+s18+$0x0], $0xffff  }
0x68: {  	v40 =	vor.u32 v0, v41;
	v45 =	vor.u32 v1, v41;
	v46 =	vor.u32 v12, v41;
	v47 =	vld.idx.msk [tilespmem:v29+s18+$0x0], $0xffff  }
0x69: {  	v48 =	vor.u32 v2, v41;
	v49 =	vor.u32 v3, v41;
	v50 =	vor.u32 v4, v41;
	v51 =	vld.idx.msk [tilespmem:v25+s18+$0x0], $0xffff  }
0x6a: {  	v52 =	vor.u32 v5, v41;
	v34 =	vor.u32 v6, v41;
	v33 =	vor.u32 v7, v41;
	v53 =	vld.idx.msk [tilespmem:v22+s18+$0x0], $0xffff  }
0x6b: {  	v32 =	vor.u32 v8, v41;
	v29 =	vor.u32 v9, v41;
	v25 =	vor.u32 v10, v41  }
0x6c: {  	v35 =	vmul.f32 v35, v14;
	v36 =	vmul.f32 v36, v14;
	v22 =	vor.u32 v11, v41;
	v42 =	vld.idx.msk [tilespmem:v42+s14+$0x0], $0xffff  }
0x6d: {  	v30 =	vadd.f32 v31, v30;
	v31 =	vmul.f32 v37, v14;
	v37 =	vmul.f32 v44, v14;
	v46 =	vld.idx.msk [tilespmem:v46+s18+$0x0], $0xffff  }
0x6e: {  	v28 =	vadd.f32 v38, v28;
	v43 =	vmul.f32 v43, v14;
	v44 =	vmul.f32 v39, v14;
	v40 =	vld.idx.msk [tilespmem:v40+s18+$0x0], $0xffff  }
.Ltmp2:
0x6f: {  	v26 =	vadd.f32 v35, v26;
	v38 =	vld.idx.msk [tilespmem:v45+s18+$0x0], $0xffff;
	v45 =	vmul.f32 v47, v14;
	v47 =	vmul.f32 v51, v14;
	(pc) =	sbr.rel @p0 .LBB2_3-.Ltmp2, $4  }
0x70: {  	v24 =	vadd.f32 v36, v24;
	v23 =	vadd.f32 v31, v23;
	v41 =	vmul.f32 v53, v14;
	v39 =	vld.idx.msk [tilespmem:v48+s18+$0x0], $0xffff  }
0x71: {  	v21 =	vadd.f32 v37, v21;
	v19 =	vadd.f32 v43, v19;
	v35 =	vld.idx.msk [tilespmem:v49+s18+$0x0], $0xffff  }
0x72: {  	v31 =	vmov s15;
	v18 =	vadd.f32 v44, v18;
	v17 =	vadd.f32 v45, v17;
	v14 =	vmovc v42;
	v36 =	vld.idx.msk [tilespmem:v50+s18+$0x0], $0xffff  }
0x73: {  	s15 =	sadd.s32 $0x1, s15;
	v42 =	vand.u32 $0x3F, v31;
	v16 =	vadd.f32 v47, v16;
	v31 =	vmul.f32 v46, v14;
	v37 =	vld.idx.msk [tilespmem:v52+s18+$0x0], $0xffff  }
0x74: {  	v15 =	vor.u32 v15, v42  }
0x75: {  	v60 =	vbroadcast v42, $0x0;
	v15 =	vbroadcast v15, $0x0;
	_ =	sdelay $0x1  }
0x76: {  	v43 =	vor.u32 v0, v60  }
0x77: {  	v46 =	vor.u32 v3, v60  }
0x78: {  	v34 =	vld.idx.msk [tilespmem:v34+s18+$0x0], $0xffff;
	v44 =	vor.u32 v1, v60  }
0x79: {  	v33 =	vld.idx.msk [tilespmem:v33+s18+$0x0], $0xffff;
	v61 =	vor.u32 v4, v60  }
0x7a: {  	v40 =	vmul.f32 v40, v14;
	v45 =	vor.u32 v2, v60;
	v15 =	vld.idx.msk [tilespmem:v15+s14+$0x0], $0xffff  }
0x7b: {  	v20 =	vadd.f32 v41, v20;
	v43 =	vld.idx.msk [tilespmem:v43+s18+$0x0], $0xffff  }
0x7c: {  	v38 =	vmul.f32 v38, v14;
	v39 =	vmul.f32 v39, v14;
	v27 =	vadd.f32 v40, v27;
	v52 =	vld.idx.msk [tilespmem:v46+s18+$0x0], $0xffff  }
0x7d: {  	v63 =	vor.u32 v12, v60;
	v47 =	vor.u32 v5, v60;
	v48 =	vor.u32 v6, v60;
	v62 =	vld.idx.msk [tilespmem:v44+s18+$0x0], $0xffff  }
0x7e: {  	v49 =	vor.u32 v7, v60;
	v50 =	vor.u32 v8, v60;
	v51 =	vor.u32 v9, v60;
	v40 =	vld.idx.msk [tilespmem:v61+s18+$0x0], $0xffff  }
0x7f: {  	v30 =	vadd.f32 v38, v30;
	v35 =	vmul.f32 v35, v14;
	v36 =	vmul.f32 v36, v14;
	v45 =	vld.idx.msk [tilespmem:v45+s18+$0x0], $0xffff  }
0x80: {  	v25 =	vld.idx.msk [tilespmem:v25+s18+$0x0], $0xffff;
	v28 =	vadd.f32 v39, v28;
	v37 =	vmul.f32 v37, v14;
	v43 =	vmul.f32 v43, v15  }
0x81: {  	v26 =	vadd.f32 v35, v26;
	v34 =	vmul.f32 v34, v14;
	v56 =	vmul.f32 v52, v15  }
0x82: {  	v32 =	vld.idx.msk [tilespmem:v32+s18+$0x0], $0xffff;
	v33 =	vmul.f32 v33, v14;
	v41 =	vmul.f32 v62, v15;
	v27 =	vadd.f32 v43, v27  }
0x83: {  	v29 =	vld.idx.msk [tilespmem:v29+s18+$0x0], $0xffff;
	v24 =	vadd.f32 v36, v24;
	v58 =	vmul.f32 v40, v15;
	v26 =	vadd.f32 v56, v26  }
0x84: {  	v54 =	vld.idx.msk [tilespmem:v47+s18+$0x0], $0xffff;
	v55 =	vmul.f32 v45, v15;
	v30 =	vadd.f32 v41, v30;
	v27 =	vmul.f32 $1.442695020e+00, v27  }
0x85: {  	v22 =	vld.idx.msk [tilespmem:v22+s18+$0x0], $0xffff;
	v25 =	vmul.f32 v25, v14;
	v24 =	vadd.f32 v58, v24;
	v26 =	vmul.f32 $1.442695020e+00, v26  }
0x86: {  	v59 =	vld.idx.msk [tilespmem:v49+s18+$0x0], $0xffff;
	v28 =	vadd.f32 v55, v28;
	(erf) = vpow2.f32 v27;
	v27 =	vmul.f32 $1.442695020e+00, v30  }
0x87: {  	v53 =	vor.u32 v10, v60;
	v57 =	vld.idx.msk [tilespmem:v48+s18+$0x0], $0xffff;
	v24 =	vmul.f32 $1.442695020e+00, v24;
	v30 =	vmul.f32 v32, v14  }
0x88: {  	v42 =	vor.u32 v11, v60;
	v60 =	vld.idx.msk [tilespmem:v50+s18+$0x0], $0xffff;
	(erf) = vpow2.f32 v27;
	v27 =	vmul.f32 $1.442695020e+00, v28  }
0x89: {  	v23 =	vadd.f32 v37, v23;
	v28 =	vmul.f32 v29, v14;
	v29 =	vmul.f32 v54, v15  }
0x8a: {  	v21 =	vadd.f32 v34, v21;
	v61 =	vld.idx.msk [tilespmem:v51+s18+$0x0], $0xffff;
	v14 =	vmul.f32 v22, v14;
	(erf) = vpow2.f32 v27  }
0x8b: {  	v22 =	vmul.f32 v59, v15;
	v23 =	vadd.f32 v29, v23;
	(erf) = vpow2.f32 v26  }
0x8c: {  	v19 =	vadd.f32 v33, v19;
	v27 =	vmul.f32 v57, v15;
	(erf) = vpow2.f32 v24  }
0x8d: {  	v18 =	vadd.f32 v30, v18;
	v23 =	vmul.f32 $1.442695020e+00, v23;
	v24 =	vmul.f32 v60, v15  }
0x8e: {  	v19 =	vadd.f32 v22, v19;
	v26 =	vld.idx.msk [tilespmem:v53+s18+$0x0], $0xffff;
	v21 =	vadd.f32 v27, v21  }
0x8f: {  	v17 =	vadd.f32 v28, v17;
	v28 =	vld.idx.msk [tilespmem:v63+s18+$0x0], $0xffff;
	v22 =	vpop (erf);
	(erf) = vpow2.f32 v23;
	v23 =	vmul.f32 v61, v15  }
0x90: {  	v27 =	vld.idx.msk [tilespmem:v42+s18+$0x0], $0xffff;
	v21 =	vmul.f32 $1.442695020e+00, v21;
	v22 =	vadd.f32 $0.0e+00, v22  }
0x91: {  	v16 =	vadd.f32 v25, v16;
	v18 =	vadd.f32 v24, v18;
	v24 =	vpop (erf)  }
0x92: {  	v19 =	vmul.f32 $1.442695020e+00, v19;
	(erf) = vpow2.f32 v21;
	v22 =	vadd.f32 v24, v22  }
0x93: {  	v18 =	vmul.f32 $1.442695020e+00, v18;
	v21 =	vmul.f32 v26, v15;
	v17 =	vadd.f32 v23, v17;
	v23 =	vpop (erf)  }
0x94: {  	v14 =	vadd.f32 v14, v20;
	(erf) = vpow2.f32 v19;
	v22 =	vadd.f32 v23, v22  }
0x95: {  	v19 =	vmul.f32 v27, v15;
	v16 =	vadd.f32 v21, v16;
	v15 =	vmul.f32 v28, v15;
	v20 =	vpop (erf)  }
0x96: {  	v17 =	vmul.f32 $1.442695020e+00, v17;
	(erf) = vpow2.f32 v18;
	v20 =	vadd.f32 v20, v22  }
0x97: {  	v13 =	vadd.f32 v31, v13;
	v14 =	vadd.f32 v19, v14;
	v18 =	vpop (erf);
	v16 =	vmul.f32 $1.442695020e+00, v16  }
0x98: {  	(erf) = vpow2.f32 v17;
	v18 =	vadd.f32 v18, v20  }
0x99: {  	v13 =	vadd.f32 v15, v13;
	v14 =	vmul.f32 $1.442695020e+00, v14;
	v15 =	vpop (erf)  }
0x9a: {  	(erf) = vpow2.f32 v16;
	v15 =	vadd.f32 v15, v18  }
0x9b: {  	v13 =	vmul.f32 $1.442695020e+00, v13;
	v16 =	vpop (erf)  }
0x9c: {  	(erf) = vpow2.f32 v14;
	v15 =	vadd.f32 v16, v15  }
0x9d: {  	v14 =	vpop (erf);
	(erf) = vpow2.f32 v13  }
0x9e: {  	v13 =	vadd.f32 v14, v15  }
0x9f: {  	v14 =	vpop (erf)  }
0xa0: {  	v13 =	vadd.f32 v14, v13  }
0xa1: {  	v14 =	vpop (erf)  }
0xa2: {  	v13 =	vadd.f32 v14, v13  }
0xa3: {  	v14 =	vpop (erf)  }
0xa4: {  	v13 =	vadd.f32 v14, v13  }
0xa5: {  	v14 =	vpop (erf)  }
0xa6: {  	p0 =	seq.s32 s31, $0x3F;
	v13 =	vadd.f32 v14, v13;
	v14 =	vpop (erf)  }
0xa7: {  	s15 =	smul.u32 @!p0 $0x680, s31;
	v14 =	vnsel vm0, $0x0, v14  }
0xa8: {  	v13 =	vadd.f32 v14, v13  }
0xa9: {  	s15 =	sshra.s32 @!p0 s15, $0x2  }
0xaa: {  	s19 =	simm.s32 @!p0 $0x64;
	s20 =	simm.s32 @!p0 $0xA900;
	[tilespmem:s1+$0x11500] =	vst v13;
	s1 =	sadd.s32 @!p0 $0x2A0, s15  }
0xab: {  	[tilespmem:s20], [sflag:$0x2] =	stream.indirect.gather @!p0 [hbm4b:s4+s19], $0x40, s1, s19, $0xb8;
	[tilespmem:$0x11D00] =	vst v63  }
0xac: {  	s1 =	sadd.s32 @!p0 $0x308, s15;
	s15 =	simm.s32 @!p0 $0xC200  }
0xad: {  	[tilespmem:s15], [sflag:$0x2] =	stream.indirect.gather @!p0 [hbm4b:s4+s19], $0x40, s1, s19, $0xb8;
	[tilespmem:$0x11D00] =	vst v63  }
0xae: {  	_ =	swait.ge [sflag:s26], $0x1900  }
0xaf: {  	[sflag:s26] =	ssyncset.done $0x0  }
0xb0: {  	[sflag:s26] =	ssyncadd.s32 $0xFFFFE700  }
0xb1: {  	_ =	swait.ge [sflag:s26], $0x1900  }
0xb2: {  	s0 =	sor.u32 $0x1, s0;
	[sflag:s26] =	ssyncset.done $0x0  }
0xb3: {  	s19 =	sshll.u32 s0, $0x6;
	[sflag:s26] =	ssyncadd.s32 $0xFFFFE700  }
0xb4: {  	v13 =	vld [tilespmem:s19+$0x6900]  }
0xb5: {  	v14 =	vld [tilespmem:s19+$0x8900]  }
0xb6: {  	v15 =	vld [tilespmem:s19+$0x6910]  }
0xb7: {  	v16 =	vld [tilespmem:s19+$0x8910]  }
0xb8: {  	v17 =	vld [tilespmem:s19+$0x6920]  }
0xb9: {  	v18 =	vld [tilespmem:s19+$0x8920]  }
0xba: {  	v19 =	vld [tilespmem:s19+$0x6930]  }
0xbb: {  	s20 =	simm.s32 $0x0;
	v20 =	vld [tilespmem:s19+$0x8930]  }
0xbc: {  	v13 =	vmul.f32 v14, v13;
	v14 =	vmul.f32 v16, v15;
	v15 =	vmov s20  }
0xbd: {  	v16 =	vmov s19;
	v15 =	vand.u32 $0x3F, v15  }
0xbe: {  	v13 =	vadd.f32 v14, v13;
	v14 =	vmul.f32 v18, v17;
	v17 =	vor.u32 v16, v15  }
0xbf: {  	v15 =	vbroadcast v15, $0x0;
	v17 =	vbroadcast v17, $0x0  }
0xc0: {  	v13 =	vadd.f32 v14, v13;
	v14 =	vmul.f32 v20, v19  }
0xc1: {  	v18 =	vor.u32 v12, v15  }
0xc2: {  	v21 =	vor.u32 v3, v15;
	v13 =	vadd.f32 v14, v13  }
0xc3: {  	s1 =	sshll.u32 s0, $0x4;
	v22 =	vor.u32 v4, v15  }
0xc4: {  	v24 =	vor.u32 v6, v15;
	[tilespmem:s1+$0x10D00] =	vst v13  }
0xc5: {  	v30 =	vor.u32 v10, v15;
	v17 =	vld.idx.msk [tilespmem:v17+s14+$0x0], $0xffff  }
0xc6: {  	v14 =	vor.u32 v0, v15;
	v18 =	vld.idx.msk [tilespmem:v18+s22+$0x0], $0xffff  }
0xc7: {  	v13 =	vor.u32 v2, v15;
	v21 =	vld.idx.msk [tilespmem:v21+s22+$0x0], $0xffff  }
0xc8: {  	v19 =	vor.u32 v1, v15;
	v31 =	vld.idx.msk [tilespmem:v22+s22+$0x0], $0xffff  }
0xc9: {  	v24 =	vld.idx.msk [tilespmem:v24+s22+$0x0], $0xffff  }
0xca: {  	v57 =	vld.idx.msk [tilespmem:v30+s22+$0x0], $0xffff  }
0xcb: {  	s19 =	simm.s32 $0x1;
	v23 =	vor.u32 v5, v15;
	v25 =	vor.u32 v7, v15;
	v28 =	vor.u32 v8, v15;
	v14 =	vld.idx.msk [tilespmem:v14+s22+$0x0], $0xffff  }
0xcc: {  	v29 =	vor.u32 v9, v15;
	v15 =	vor.u32 v11, v15;
	v26 =	vld.idx.msk [tilespmem:v13+s22+$0x0], $0xffff;
	v13 =	vmov s19  }
0xcd: {  	v19 =	vld.idx.msk [tilespmem:v19+s22+$0x0], $0xffff;
	v13 =	vand.u32 $0x3F, v13;
	v18 =	vmul.f32 v18, v17  }
0xce: {  	v21 =	vmul.f32 v21, v17;
	v31 =	vmul.f32 v31, v17;
	v22 =	vor.u32 v16, v13  }
0xcf: {  	v62 =	vbroadcast v13, $0x0;
	v22 =	vbroadcast v22, $0x0  }
0xd0: {  	v20 =	vimm.f32 $0.0e+00;
	v23 =	vld.idx.msk [tilespmem:v23+s22+$0x0], $0xffff;
	v61 =	vmul.f32 v24, v17;
	v14 =	vmul.f32 v14, v17  }
0xd1: {  	v59 =	vld.idx.msk [tilespmem:v15+s22+$0x0], $0xffff;
	v44 =	vmul.f32 v57, v17;
	v13 =	vadd.f32 v18, v20;
	v52 =	vor.u32 v1, v62  }
0xd2: {  	v27 =	vadd.f32 v14, v20;
	v14 =	vmul.f32 v19, v17;
	v19 =	vld.idx.msk [tilespmem:v28+s22+$0x0], $0xffff;
	v28 =	vor.u32 v12, v62  }
0xd3: {  	v63 =	vld.idx.msk [tilespmem:v25+s22+$0x0], $0xffff;
	v24 =	vadd.f32 v31, v20;
	v18 =	vmul.f32 v26, v17;
	v26 =	vor.u32 v0, v62  }
0xd4: {  	v53 =	vld.idx.msk [tilespmem:v29+s22+$0x0], $0xffff;
	v54 =	vor.u32 v2, v62;
	v55 =	vor.u32 v3, v62;
	v56 =	vor.u32 v4, v62  }
0xd5: {  	v58 =	vor.u32 v5, v62;
	v34 =	vor.u32 v6, v62;
	v33 =	vor.u32 v7, v62;
	v15 =	vld.idx.msk [tilespmem:v22+s14+$0x0], $0xffff  }
0xd6: {  	v32 =	vor.u32 v8, v62;
	v30 =	vadd.f32 v14, v20;
	v14 =	vmul.f32 v23, v17;
	v38 =	vld.idx.msk [tilespmem:v52+s22+$0x0], $0xffff  }
0xd7: {  	s20 =	simm.s32 $0x2;
	v29 =	vor.u32 v9, v62;
	v25 =	vor.u32 v10, v62;
	v41 =	vmul.f32 v59, v17;
	v60 =	vld.idx.msk [tilespmem:v28+s22+$0x0], $0xffff  }
0xd8: {  	v22 =	vor.u32 v11, v62;
	v23 =	vadd.f32 v14, v20;
	v14 =	vmov s20;
	v40 =	vld.idx.msk [tilespmem:v26+s22+$0x0], $0xffff  }
0xd9: {  	v39 =	vld.idx.msk [tilespmem:v54+s22+$0x0], $0xffff;
	v28 =	vadd.f32 v18, v20;
	v18 =	vmul.f32 v63, v17;
	v62 =	vmul.f32 v19, v17  }
0xda: {  	v35 =	vld.idx.msk [tilespmem:v55+s22+$0x0], $0xffff;
	v26 =	vadd.f32 v21, v20;
	v63 =	vmul.f32 v53, v17;
	v21 =	vadd.f32 v61, v20  }
0xdb: {  	v36 =	vld.idx.msk [tilespmem:v56+s22+$0x0], $0xffff;
	v42 =	vand.u32 $0x3F, v14;
	v14 =	vadd.f32 v44, v20;
	v19 =	vadd.f32 v18, v20  }
0xdc: {  	s0 =	simm.s32 $0x3;
	v37 =	vld.idx.msk [tilespmem:v58+s22+$0x0], $0xffff;
	v18 =	vadd.f32 v62, v20;
	v17 =	vadd.f32 v63, v20;
	v31 =	vmul.f32 v60, v15  }
.LBB2_5:
0xdd: {  	p1 =	sne.s32 s0, $0x3F;
	v43 =	vor.u32 v16, v42;
	v40 =	vmul.f32 v40, v15;
	v44 =	vld.idx.msk [tilespmem:v34+s22+$0x0], $0xffff;
	v20 =	vadd.f32 v41, v20  }
0xde: {  	v41 =	vbroadcast v42, $0x0;
	v42 =	vbroadcast v43, $0x0;
	v43 =	vld.idx.msk [tilespmem:v33+s22+$0x0], $0xffff;
	v13 =	vadd.f32 v31, v13  }
0xdf: {  	v31 =	vmul.f32 v38, v15;
	v38 =	vmul.f32 v39, v15;
	v27 =	vadd.f32 v40, v27;
	v39 =	vld.idx.msk [tilespmem:v32+s22+$0x0], $0xffff  }
0xe0: {  	v40 =	vor.u32 v0, v41;
	v45 =	vor.u32 v1, v41;
	v46 =	vor.u32 v12, v41;
	v47 =	vld.idx.msk [tilespmem:v29+s22+$0x0], $0xffff  }
0xe1: {  	v48 =	vor.u32 v2, v41;
	v49 =	vor.u32 v3, v41;
	v50 =	vor.u32 v4, v41;
	v51 =	vld.idx.msk [tilespmem:v25+s22+$0x0], $0xffff  }
0xe2: {  	v52 =	vor.u32 v5, v41;
	v34 =	vor.u32 v6, v41;
	v33 =	vor.u32 v7, v41;
	v53 =	vld.idx.msk [tilespmem:v22+s22+$0x0], $0xffff  }
0xe3: {  	v32 =	vor.u32 v8, v41;
	v29 =	vor.u32 v9, v41;
	v25 =	vor.u32 v10, v41  }
0xe4: {  	v35 =	vmul.f32 v35, v15;
	v36 =	vmul.f32 v36, v15;
	v22 =	vor.u32 v11, v41;
	v42 =	vld.idx.msk [tilespmem:v42+s14+$0x0], $0xffff  }
0xe5: {  	v30 =	vadd.f32 v31, v30;
	v31 =	vmul.f32 v37, v15;
	v37 =	vmul.f32 v44, v15;
	v46 =	vld.idx.msk [tilespmem:v46+s22+$0x0], $0xffff  }
0xe6: {  	v28 =	vadd.f32 v38, v28;
	v43 =	vmul.f32 v43, v15;
	v44 =	vmul.f32 v39, v15;
	v40 =	vld.idx.msk [tilespmem:v40+s22+$0x0], $0xffff  }
.Ltmp3:
0xe7: {  	v26 =	vadd.f32 v35, v26;
	v38 =	vld.idx.msk [tilespmem:v45+s22+$0x0], $0xffff;
	v45 =	vmul.f32 v47, v15;
	v47 =	vmul.f32 v51, v15;
	(pc) =	sbr.rel @p1 .LBB2_5-.Ltmp3, $4  }
0xe8: {  	v24 =	vadd.f32 v36, v24;
	v23 =	vadd.f32 v31, v23;
	v41 =	vmul.f32 v53, v15;
	v39 =	vld.idx.msk [tilespmem:v48+s22+$0x0], $0xffff  }
0xe9: {  	v21 =	vadd.f32 v37, v21;
	v19 =	vadd.f32 v43, v19;
	v35 =	vld.idx.msk [tilespmem:v49+s22+$0x0], $0xffff  }
0xea: {  	v31 =	vmov s0;
	v18 =	vadd.f32 v44, v18;
	v17 =	vadd.f32 v45, v17;
	v15 =	vmovc v42;
	v36 =	vld.idx.msk [tilespmem:v50+s22+$0x0], $0xffff  }
0xeb: {  	s0 =	sadd.s32 $0x1, s0;
	v42 =	vand.u32 $0x3F, v31;
	v14 =	vadd.f32 v47, v14;
	v31 =	vmul.f32 v46, v15;
	v37 =	vld.idx.msk [tilespmem:v52+s22+$0x0], $0xffff  }
0xec: {  	v16 =	vor.u32 v16, v42  }
0xed: {  	v62 =	vbroadcast v42, $0x0;
	v16 =	vbroadcast v16, $0x0;
	_ =	sdelay $0x1  }
0xee: {  	v43 =	vor.u32 v0, v62;
	_ =	sdelay $0x1  }
0xef: {  	v44 =	vor.u32 v1, v62  }
0xf0: {  	v34 =	vld.idx.msk [tilespmem:v34+s22+$0x0], $0xffff  }
0xf1: {  	v45 =	vor.u32 v2, v62;
	v16 =	vld.idx.msk [tilespmem:v16+s14+$0x0], $0xffff  }
0xf2: {  	v40 =	vmul.f32 v40, v15;
	v46 =	vor.u32 v3, v62;
	v43 =	vld.idx.msk [tilespmem:v43+s22+$0x0], $0xffff  }
0xf3: {  	v20 =	vadd.f32 v41, v20;
	v38 =	vmul.f32 v38, v15;
	v33 =	vld.idx.msk [tilespmem:v33+s22+$0x0], $0xffff  }
0xf4: {  	v39 =	vmul.f32 v39, v15;
	v27 =	vadd.f32 v40, v27;
	v63 =	vor.u32 v4, v62;
	v54 =	vld.idx.msk [tilespmem:v44+s22+$0x0], $0xffff  }
0xf5: {  	v25 =	vld.idx.msk [tilespmem:v25+s22+$0x0], $0xffff;
	v47 =	vor.u32 v5, v62;
	v48 =	vor.u32 v6, v62;
	v49 =	vor.u32 v7, v62  }
0xf6: {  	v50 =	vor.u32 v8, v62;
	v51 =	vor.u32 v9, v62;
	v30 =	vadd.f32 v38, v30;
	v45 =	vld.idx.msk [tilespmem:v45+s22+$0x0], $0xffff  }
0xf7: {  	v56 =	vor.u32 v10, v62;
	v42 =	vor.u32 v11, v62;
	v55 =	vld.idx.msk [tilespmem:v46+s22+$0x0], $0xffff;
	v43 =	vmul.f32 v43, v16  }
0xf8: {  	v35 =	vmul.f32 v35, v15;
	v36 =	vmul.f32 v36, v15;
	v28 =	vadd.f32 v39, v28  }
0xf9: {  	v37 =	vmul.f32 v37, v15;
	v40 =	vld.idx.msk [tilespmem:v63+s22+$0x0], $0xffff;
	v41 =	vmul.f32 v54, v16;
	v27 =	vadd.f32 v43, v27  }
0xfa: {  	v32 =	vld.idx.msk [tilespmem:v32+s22+$0x0], $0xffff;
	v26 =	vadd.f32 v35, v26;
	v34 =	vmul.f32 v34, v15;
	v33 =	vmul.f32 v33, v15  }
0xfb: {  	v57 =	vld.idx.msk [tilespmem:v47+s22+$0x0], $0xffff;
	v58 =	vmul.f32 v45, v16;
	v30 =	vadd.f32 v41, v30;
	v27 =	vmul.f32 $1.442695020e+00, v27  }
0xfc: {  	v24 =	vadd.f32 v36, v24;
	v25 =	vmul.f32 v25, v15;
	v60 =	vld.idx.msk [tilespmem:v48+s22+$0x0], $0xffff;
	v59 =	vmul.f32 v55, v16  }
0xfd: {  	v47 =	vld.idx.msk [tilespmem:v50+s22+$0x0], $0xffff;
	v28 =	vadd.f32 v58, v28;
	v61 =	vmul.f32 $1.442695020e+00, v30;
	(erf) = vpow2.f32 v27  }
0xfe: {  	v23 =	vadd.f32 v37, v23;
	v44 =	vor.u32 v12, v62;
	v63 =	vmul.f32 v40, v16  }
0xff: {  	v29 =	vld.idx.msk [tilespmem:v29+s22+$0x0], $0xffff;
	v26 =	vadd.f32 v59, v26;
	v41 =	vmul.f32 $1.442695020e+00, v28;
	(erf) = vpow2.f32 v61  }
0x100: {  	v62 =	vmul.f32 v32, v15;
	v21 =	vadd.f32 v34, v21;
	v40 =	vld.idx.msk [tilespmem:v49+s22+$0x0], $0xffff;
	v45 =	vmul.f32 v57, v16  }
0x101: {  	v22 =	vld.idx.msk [tilespmem:v22+s22+$0x0], $0xffff;
	v24 =	vadd.f32 v63, v24;
	v26 =	vmul.f32 $1.442695020e+00, v26;
	(erf) = vpow2.f32 v41  }
0x102: {  	v48 =	vmul.f32 v60, v16;
	v52 =	vmul.f32 v47, v16;
	v23 =	vadd.f32 v45, v23  }
0x103: {  	v13 =	vadd.f32 v31, v13;
	v49 =	vld.idx.msk [tilespmem:v51+s22+$0x0], $0xffff;
	v24 =	vmul.f32 $1.442695020e+00, v24;
	(erf) = vpow2.f32 v26  }
0x104: {  	v43 =	vmul.f32 v29, v15;
	v21 =	vadd.f32 v48, v21;
	v23 =	vmul.f32 $1.442695020e+00, v23  }
0x105: {  	v19 =	vadd.f32 v33, v19;
	v51 =	vld.idx.msk [tilespmem:v56+s22+$0x0], $0xffff;
	v50 =	vmul.f32 v40, v16;
	(erf) = vpow2.f32 v24  }
0x106: {  	v18 =	vadd.f32 v62, v18;
	v15 =	vmul.f32 v22, v15;
	v21 =	vmul.f32 $1.442695020e+00, v21;
	v53 =	vpop (erf)  }
0x107: {  	v54 =	vld.idx.msk [tilespmem:v42+s22+$0x0], $0xffff;
	v19 =	vadd.f32 v50, v19;
	(erf) = vpow2.f32 v23;
	v22 =	vadd.f32 $0.0e+00, v53  }
0x108: {  	v18 =	vadd.f32 v52, v18;
	v17 =	vadd.f32 v43, v17;
	v55 =	vmul.f32 v49, v16;
	v56 =	vpop (erf)  }
0x109: {  	v57 =	vld.idx.msk [tilespmem:v44+s22+$0x0], $0xffff;
	v19 =	vmul.f32 $1.442695020e+00, v19;
	(erf) = vpow2.f32 v21;
	v22 =	vadd.f32 v56, v22  }
0x10a: {  	v14 =	vadd.f32 v25, v14;
	v18 =	vmul.f32 $1.442695020e+00, v18;
	v58 =	vmul.f32 v51, v16;
	v59 =	vpop (erf)  }
0x10b: {  	v17 =	vadd.f32 v55, v17;
	(erf) = vpow2.f32 v19;
	v22 =	vadd.f32 v59, v22  }
0x10c: {  	v15 =	vadd.f32 v15, v20;
	v60 =	vmul.f32 v54, v16;
	v14 =	vadd.f32 v58, v14;
	v61 =	vpop (erf)  }
0x10d: {  	v17 =	vmul.f32 $1.442695020e+00, v17;
	(erf) = vpow2.f32 v18;
	v20 =	vadd.f32 v61, v22  }
0x10e: {  	v16 =	vmul.f32 v57, v16;
	v15 =	vadd.f32 v60, v15;
	v14 =	vmul.f32 $1.442695020e+00, v14;
	v62 =	vpop (erf)  }
0x10f: {  	(erf) = vpow2.f32 v17;
	v18 =	vadd.f32 v62, v20  }
0x110: {  	v13 =	vadd.f32 v16, v13;
	v63 =	vpop (erf);
	(erf) = vpow2.f32 v14;
	v14 =	vmul.f32 $1.442695020e+00, v15  }
0x111: {  	v16 =	vadd.f32 v63, v18  }
0x112: {  	v13 =	vmul.f32 $1.442695020e+00, v13;
	v15 =	vpop (erf)  }
0x113: {  	(erf) = vpow2.f32 v14;
	v15 =	vadd.f32 v15, v16  }
0x114: {  	v14 =	vpop (erf);
	(erf) = vpow2.f32 v13  }
0x115: {  	v13 =	vadd.f32 v14, v15  }
0x116: {  	v14 =	vpop (erf)  }
0x117: {  	v13 =	vadd.f32 v14, v13  }
0x118: {  	v14 =	vpop (erf)  }
0x119: {  	v13 =	vadd.f32 v14, v13  }
0x11a: {  	v14 =	vpop (erf)  }
0x11b: {  	v13 =	vadd.f32 v14, v13  }
0x11c: {  	v14 =	vpop (erf)  }
.Ltmp4:
0x11d: {  	v13 =	vadd.f32 v14, v13;
	v14 =	vpop (erf);
	(pc) =	sbr.rel @p0 .LBB2_8-.Ltmp4, $3  }
0x11e: {  	v14 =	vnsel vm0, $0x0, v14  }
0x11f: {  	v13 =	vadd.f32 v14, v13;
	_ =	sdelay $0x1  }
0x120: {  	[tilespmem:s1+$0x11500] =	vst v13  }
0x121: {  	s0 =	smul.u32 $0x680, s31;
	_ =	sdelay $0x1  }
.Ltmp5:
0x122: {  	s0 =	sshra.s32 s0, $0x2;
	(pc) =	sbr.rel .LBB2_2-.Ltmp5, $4  }
0x123: {  	s1 =	sadd.s32 $0x370, s0  }
0x124: {  	[tilespmem:s22], [sflag:$0x3] =	stream.indirect.gather [hbm4b:s4+s17], $0x40, s1, s17, $0xb8;
	[tilespmem:$0x11D00] =	vst v63  }
0x125: {  	s31 =	sadd.s32 $0x1, s31;
	s0 =	sadd.s32 $0x3D8, s0  }
0x126: {  	[tilespmem:s24], [sflag:$0x3] =	stream.indirect.gather [hbm4b:s4+s17], $0x40, s0, s17, $0xb8;
	[tilespmem:$0x11D00] =	vst v63  }
.LBB2_9:
0x127: {  	_ =	sfence.sel $0x180000  }
0x128: {  	[bflag:$0x0] =	sbarrier.arrive $0xFFFF  }
0x129: {  	_ =	strace $0x90000047  }
0x12a: {  	s0 =	stileid.u32;
	[bflag:$0x2] =	sbarrier.arrive $0xFFFF  }
0x12b: {  	p0 =	sne.s32 s0, $0x0;
	s0 =	rddreg [dreg:$0x3]  }
0x12c: {  	s0 =	sadd.s32 @!p0 $0x100000, s0  }
0x12d: {  	[sflag:s0] =	ssyncadd.tile.s32 @!p0 $0x1;
	_ =	shalt  }
.Lfunc_end2:
_tile_overlayer_lowered:
.L_overlay_start_2:
0x12e: {  	(tag) =	ssettag $0x2  }
0x12f: {  	s0 =	rddreg [dreg:$0x0];
	s2 =	stileid.u32  }
0x130: {  	s1 =	rddreg [dreg:$0x1];
	p0 =	sne.s32 s2, $0x0  }
0x131: {  	s3 =	rddreg [dreg:$0x2];
	[bflag:$0x3] =	sbarrier.arrive $0xFFFF;
	s2 =	simm.s32 @!p0 $0x1C04  }
0x132: {  	[timem:s3], [sflag:s2] =	dma.local @!p0 [hbm:s0], s1  }
0x133: {  	s0 =	simm.s32 @!p0 $0x4  }
0x134: {  	_ =	swait.ge @!p0 [sflag:s0], s1  }
0x135: {  	s1 =	ssub.s32 @!p0 $0x0, s1;
	[sflag:s0] =	ssyncset.done @!p0 $0x0  }
0x136: {  	[sflag:s0] =	ssyncadd.s32 @!p0 s1  }
0x137: {  	[bflag:$0x3] =	sbarrier.arrive $0xFFFF  }
0x138: {  	_ =	shalt  }

</sc_bundles>
